<compile_context>
chip_gen: v7x
topology: tpu7x:2x2x1
jax: 0.10.2.dev20260603
libtpu: 0.0.44.dev20260713+nightly
codegen_flags: <defaults>
</compile_context>

<pallas_src>
import functools

import jax
import jax.numpy as jnp
from jax import lax
from jax.experimental import pallas as pl
from jax.experimental.pallas import tpu as pltpu
from jax.experimental.pallas import tpu_sc as plsc

N = 10000
D = 256
H = 5
E = 160000

HP = 8
NPAD = 10240
NS = 16
CHUNK = 128
EC = 10240
NCH = EC // CHUNK
EPAD = EC * NS
PADIDX = NPAD - 8
RPT = NPAD // NS
NV = RPT * HP // 16
RING = 16
LOOK = 8


def _rsqrt16(d):
    i = plsc.bitcast(d, jnp.int32)
    y = plsc.bitcast(0x5F3759DF - (i >> 1), jnp.float32)
    for _ in range(2):
        y = y * (1.5 - 0.5 * d * y * y)
    return y


def _fused_sc_body(h1_hbm, src_hbm, dst_hbm, ones_hbm, zeros_hbm,
                   b1_hbm, p2_hbm,
                   idx_s_v, idx_d_v, rows_v, gbuf, dinvbuf, abuf, zbuf,
                   ones_v, dummy_v, b1buf, acc_sh, g_sh, gsem, ssem):
    sid = lax.axis_index("s")
    sl = pl.ds(sid * RPT, RPT)

    lane = lax.iota(jnp.int32, 16)
    cols = lane & 7
    rowpat = lane >> 3

    pltpu.sync_copy(src_hbm.at[sid], idx_s_v)
    pltpu.sync_copy(dst_hbm.at[sid], idx_d_v)
    pltpu.sync_copy(ones_hbm, ones_v)
    pltpu.sync_copy(zeros_hbm, zbuf)
    pltpu.sync_copy(b1_hbm, b1buf)
    pltpu.sync_copy(zbuf, acc_sh.at[sl])
    plsc.subcore_barrier()

    def _drain_scatters(n, desc_src, desc_dst):
        def d(j, c):
            pltpu.make_async_copy(desc_src, desc_dst, ssem).wait()
            return c
        lax.fori_loop(0, n, d, 0)

    def _propagate(tab_sh):
        gdesc_src = tab_sh.at[pl.ds(0, CHUNK)]
        sdesc_src = zeros_hbm.at[pl.ds(0, CHUNK)]

        def prime(j, c):
            pltpu.async_copy(tab_sh.at[idx_s_v.at[j]], rows_v.at[j], gsem)
            return c
        lax.fori_loop(0, LOOK, prime, 0)

        def step(j, c):
            pltpu.make_async_copy(gdesc_src, rows_v.at[0], gsem).wait()
            pltpu.async_copy(
                rows_v.at[j & (RING - 1)], acc_sh.at[idx_d_v.at[j]],
                ssem, add=True)

            @pl.when(j >= LOOK)
            def _():
                pltpu.make_async_copy(sdesc_src, dummy_v, ssem).wait()

            @pl.when(j + LOOK < NCH)
            def _():
                pltpu.async_copy(
                    tab_sh.at[idx_s_v.at[j + LOOK]],
                    rows_v.at[(j + LOOK) & (RING - 1)], gsem)
            return c
        lax.fori_loop(0, NCH, step, 0)
        _drain_scatters(LOOK, sdesc_src, dummy_v)

    def deg_scat(j, c):
        pltpu.async_copy(ones_v, acc_sh.at[idx_d_v.at[j]], ssem, add=True)
        return c
    lax.fori_loop(0, NCH, deg_scat, 0)
    _drain_scatters(NCH, ones_hbm, ones_v)
    plsc.subcore_barrier()

    pltpu.sync_copy(acc_sh.at[sl], abuf)
    pltpu.sync_copy(zbuf, acc_sh.at[sl])
    pltpu.sync_copy(h1_hbm.at[sl], dinvbuf)

    def ew_a(i, c):
        rows = rowpat + 2 * i
        d = plsc.load_gather(abuf, [rows, cols]) + 1.0
        h = plsc.load_gather(dinvbuf, [rows, cols])
        y = _rsqrt16(d)
        plsc.store_scatter(dinvbuf, [rows, cols], y)
        plsc.store_scatter(gbuf, [rows, cols], y * h)
        return c
    lax.fori_loop(0, NV, ew_a, 0, unroll=4)
    pltpu.sync_copy(gbuf, g_sh.at[sl])
    plsc.subcore_barrier()

    _propagate(g_sh)
    plsc.subcore_barrier()

    pltpu.sync_copy(acc_sh.at[sl], abuf)
    pltpu.sync_copy(zbuf, acc_sh.at[sl])
    b1v = b1buf[...]

    def ew_b(i, c):
        rows = rowpat + 2 * i
        a = plsc.load_gather(abuf, [rows, cols])
        g = plsc.load_gather(gbuf, [rows, cols])
        y = plsc.load_gather(dinvbuf, [rows, cols])
        p = y * (a + g) + b1v
        plsc.store_scatter(gbuf, [rows, cols], y * jnp.maximum(p, 0.0))
        return c
    lax.fori_loop(0, NV, ew_b, 0, unroll=4)
    pltpu.sync_copy(gbuf, g_sh.at[sl])
    plsc.subcore_barrier()

    _propagate(g_sh)
    plsc.subcore_barrier()

    pltpu.sync_copy(acc_sh.at[sl], abuf)

    def ew_c(i, c):
        rows = rowpat + 2 * i
        a = plsc.load_gather(abuf, [rows, cols])
        g = plsc.load_gather(gbuf, [rows, cols])
        y = plsc.load_gather(dinvbuf, [rows, cols])
        plsc.store_scatter(abuf, [rows, cols], y * (a + g))
        return c
    lax.fori_loop(0, NV, ew_c, 0, unroll=4)
    pltpu.sync_copy(abuf, p2_hbm.at[sl])


_fused_sc = pl.kernel(
    _fused_sc_body,
    out_type=jax.ShapeDtypeStruct((NPAD, HP), jnp.float32),
    name="gcn_fused_sc",
    mesh=plsc.VectorSubcoreMesh(
        core_axis_name="c", subcore_axis_name="s",
        num_cores=1, num_subcores=NS),
    scratch_types=[
        pltpu.VMEM((NCH, CHUNK), jnp.int32),
        pltpu.VMEM((NCH, CHUNK), jnp.int32),
        pltpu.VMEM((RING, CHUNK, HP), jnp.float32),
        pltpu.VMEM((RPT, HP), jnp.float32),
        pltpu.VMEM((RPT, HP), jnp.float32),
        pltpu.VMEM((RPT, HP), jnp.float32),
        pltpu.VMEM((RPT, HP), jnp.float32),
        pltpu.VMEM((CHUNK, HP), jnp.float32),
        pltpu.VMEM((CHUNK, HP), jnp.float32),
        pltpu.VMEM((16,), jnp.float32),
        pltpu.VMEM_SHARED((NPAD, HP), jnp.float32),
        pltpu.VMEM_SHARED((NPAD, HP), jnp.float32),
        pltpu.SemaphoreType.DMA,
        pltpu.SemaphoreType.DMA,
    ],
    compiler_params=pltpu.CompilerParams(
        use_tc_tiling_on_sc=False, needs_layout_passes=False),
)


def _mm1_body(x_ref, w_ref, e_ref, o_ref, src_ref, dst_ref):
    o_ref[...] = jnp.dot(x_ref[...], w_ref[...],
                         preferred_element_type=jnp.float32)
    flat = (pl.program_id(0) * EC
            + lax.broadcasted_iota(jnp.int32, (1, 1, EC), 2))
    pad = PADIDX + (flat & 7)
    real = flat < E
    src_ref[...] = jnp.where(real, e_ref[0:1, :][None], pad)
    dst_ref[...] = jnp.where(real, e_ref[1:2, :][None], pad)


def _final_body(p2_ref, w2_ref, b2_ref, o_ref):
    o_ref[...] = jnp.dot(p2_ref[...], w2_ref[...],
                         preferred_element_type=jnp.float32) + b2_ref[...]


_RB = 1000
_MB = 640


def kernel(t, x, edge_index, W1, b1, W2, b2):
    del t
    f32 = jnp.float32

    edges = edge_index.astype(jnp.int32)
    W1p = jnp.zeros((D, HP), f32).at[:, :H].set(W1)
    W2p = jnp.zeros((HP, D), f32).at[:H, :].set(W2)
    b1v = jnp.zeros((16,), f32).at[:H].set(b1).at[8:8 + H].set(b1)
    b2r = b2.reshape(1, D)

    ones_c = jnp.ones((CHUNK, HP), f32)
    zeros_r = jnp.zeros((RPT, HP), f32)

    h1p, src_p, dst_p = pl.pallas_call(
        _mm1_body,
        grid=(NPAD // _MB,),
        in_specs=[pl.BlockSpec((_MB, D), lambda i: (i, 0)),
                  pl.BlockSpec((D, HP), lambda i: (0, 0)),
                  pl.BlockSpec((2, EC), lambda i: (0, i))],
        out_specs=[pl.BlockSpec((_MB, HP), lambda i: (i, 0)),
                   pl.BlockSpec((1, 1, EC), lambda i: (i, 0, 0)),
                   pl.BlockSpec((1, 1, EC), lambda i: (i, 0, 0))],
        out_shape=[jax.ShapeDtypeStruct((NPAD, HP), f32),
                   jax.ShapeDtypeStruct((NS, 1, EC), jnp.int32),
                   jax.ShapeDtypeStruct((NS, 1, EC), jnp.int32)],
    )(x, W1p, edges)
    src_t = src_p.reshape(NS, NCH, CHUNK)
    dst_t = dst_p.reshape(NS, NCH, CHUNK)

    p2 = _fused_sc(h1p, src_t, dst_t, ones_c, zeros_r, b1v)

    out = pl.pallas_call(
        _final_body,
        grid=(N // _RB,),
        in_specs=[pl.BlockSpec((_RB, HP), lambda i: (i, 0)),
                  pl.BlockSpec((HP, D), lambda i: (0, 0)),
                  pl.BlockSpec((1, D), lambda i: (0, 0))],
        out_specs=pl.BlockSpec((_RB, D), lambda i: (i, 0)),
        out_shape=jax.ShapeDtypeStruct((N, D), f32),
    )(p2, W2p, b2r)
    return out

# --- scband reference (transcript-rebuilt; emitter-appended) ---
"""Pipeline reference for scband-odefunc-35914516529658 (READ-ONLY COPY).

The authoritative reference and input builder live on the scoring server;
editing this copy changes nothing except your own understanding.
"""

import jax, jax.numpy as jnp
import numpy as np

N = 10000
D = 256
H = 5
E = 160000


def setup_inputs(seed: int = 0) -> dict:
    key = jax.random.key(seed)
    k1, k2, k3, k4, k5 = jax.random.split(key, 5)
    t = jax.random.uniform(k1, (1,), dtype=jnp.float32)
    x = jax.random.normal(k2, (N, D), dtype=jnp.float32)
    edge_index = jax.random.randint(k3, (2, E), 0, N, dtype=jnp.int64)
    W1 = jax.random.normal(k4, (D, H), dtype=jnp.float32) * 0.05
    b1 = jnp.zeros((H,), dtype=jnp.float32)
    W2 = jax.random.normal(k5, (H, D), dtype=jnp.float32) * 0.05
    b2 = jnp.zeros((D,), dtype=jnp.float32)
    return {"t": t, "x": x, "edge_index": edge_index, "W1": W1, "b1": b1, "W2": W2, "b2": b2}


def gcn_conv(x, edge_index, W, b):
    # PyG GCNConv: add self-loops, symmetric deg^-1/2 normalization, linear, scatter-add, bias
    n = x.shape[0]
    loops = jnp.arange(n, dtype=edge_index.dtype)
    src = jnp.concatenate([edge_index[0], loops])
    dst = jnp.concatenate([edge_index[1], loops])
    h = x @ W
    deg = jnp.zeros((n,), dtype=h.dtype).at[dst].add(1.0)
    dinv = deg ** -0.5
    norm = dinv[src] * dinv[dst]
    msgs = norm[:, None] * jnp.take(h, src, axis=0)
    out = jnp.zeros((n, W.shape[1]), dtype=h.dtype).at[dst].add(msgs)
    return out + b


def reference(t, x, edge_index, W1, b1, W2, b2):
    h = gcn_conv(x, edge_index, W1, b1)
    h = jax.nn.relu(h)
    out = gcn_conv(h, edge_index, W2, b2)
    return out

if __name__ == "__main__":
    import jax
    _d = setup_inputs()
    print(jax.jit(kernel)(*tuple(_d.values())))

</pallas_src>

<mosaic_0001>
#map = affine_map<(d0, d1) -> (0, 0)>
#map1 = affine_map<(d0, d1) -> (0, 0, 0)>
#map2 = affine_map<(d0, d1) -> (0)>
module attributes {stable_mosaic.version = 14 : i64} {
  func.func @gcn_fused_sc(%arg0: i32, %arg1: i32, %arg2: memref<10240x8xf32, #tpu.memory_space<hbm>>, %arg3: memref<16x80x128xi32, #tpu.memory_space<hbm>>, %arg4: memref<16x80x128xi32, #tpu.memory_space<hbm>>, %arg5: memref<128x8xf32, #tpu.memory_space<hbm>>, %arg6: memref<640x8xf32, #tpu.memory_space<hbm>>, %arg7: memref<16xf32, #tpu.memory_space<hbm>>, %arg8: memref<10240x8xf32, #tpu.memory_space<hbm>>, %arg9: memref<80x128xi32, #tpu.memory_space<vmem>>, %arg10: memref<80x128xi32, #tpu.memory_space<vmem>>, %arg11: memref<16x128x8xf32, #tpu.memory_space<vmem>>, %arg12: memref<640x8xf32, #tpu.memory_space<vmem>>, %arg13: memref<640x8xf32, #tpu.memory_space<vmem>>, %arg14: memref<640x8xf32, #tpu.memory_space<vmem>>, %arg15: memref<640x8xf32, #tpu.memory_space<vmem>>, %arg16: memref<128x8xf32, #tpu.memory_space<vmem>>, %arg17: memref<128x8xf32, #tpu.memory_space<vmem>>, %arg18: memref<16xf32, #tpu.memory_space<vmem>>, %arg19: memref<10240x8xf32, #tpu.memory_space<vmem_shared>>, %arg20: memref<10240x8xf32, #tpu.memory_space<vmem_shared>>, %arg21: memref<!tpu.dma_semaphore, #tpu.memory_space<semaphore_mem>>, %arg22: memref<!tpu.dma_semaphore, #tpu.memory_space<semaphore_mem>>) attributes {dimension_semantics = [#tpu.dimension_semantics<core_parallel>, #tpu.dimension_semantics<subcore_parallel>], iteration_bounds = array<i64: 1, 16>, scalar_prefetch = 0 : i64, scratch_operands = 14 : i64, tpu.core_type = #tpu.core_type<sc_vector_subcore>, window_params = [{transform_indices = #map}, {transform_indices = #map1}, {transform_indices = #map1}, {transform_indices = #map}, {transform_indices = #map}, {transform_indices = #map2}, {transform_indices = #map}]} {
    %mul3A = arith.constant 640 : i32
    %mul3A_0 = arith.muli %arg1, %mul3A : i32
    %iota3A = tpu.iota {dimensions = array<i32: 0>} : vector<16xi32>
    %and3A = arith.constant 7 : i32
    %and3A_1 = vector.broadcast %and3A : i32 to vector<16xi32>
    %and3A_2 = arith.andi %iota3A, %and3A_1 : vector<16xi32>
    %shift_right_arithmetic3A = arith.constant 3 : i32
    %shift_right_arithmetic3A_3 = vector.broadcast %shift_right_arithmetic3A : i32 to vector<16xi32>
    %shift_right_arithmetic3A_4 = arith.shrsi %iota3A, %shift_right_arithmetic3A_3 : vector<16xi32>
    "tpu.region"() ({
      %run_scoped3A = tpu.sem_alloc : memref<!tpu.dma_semaphore, #tpu.memory_space<semaphore_mem>>
      %dma_start3A = arith.constant 0 : i32
      %dma_start3A_76 = arith.constant 0 : i32
      %dma_start3A_77 = tpu.memref_slice %arg3[%arg1, %dma_start3A, %dma_start3A_76] : memref<16x80x128xi32, #tpu.memory_space<hbm>> -> memref<1x80x128xi32, #tpu.memory_space<hbm>>
      %dma_start3A_78 = tpu.memref_squeeze %dma_start3A_77 : memref<1x80x128xi32, #tpu.memory_space<hbm>> -> memref<80x128xi32, #tpu.memory_space<hbm>>
      %dma_start3A_79 = arith.constant 0 : i32
      %dma_start3A_80 = arith.constant 0 : i32
      %dma_start3A_81 = tpu.memref_slice %arg3[%arg1, %dma_start3A_79, %dma_start3A_80] : memref<16x80x128xi32, #tpu.memory_space<hbm>> -> memref<1x80x128xi32, #tpu.memory_space<hbm>>
      %dma_start3A_82 = tpu.memref_squeeze %dma_start3A_81 : memref<1x80x128xi32, #tpu.memory_space<hbm>> -> memref<80x128xi32, #tpu.memory_space<hbm>>
      tpu.enqueue_dma source(%dma_start3A_82 : memref<80x128xi32, #tpu.memory_space<hbm>>) target(%arg9 : memref<80x128xi32, #tpu.memory_space<vmem>>) target_semaphore(%run_scoped3A : memref<!tpu.dma_semaphore, #tpu.memory_space<semaphore_mem>>)
      %dma_wait3A = arith.constant 0 : i32
      %dma_wait3A_83 = arith.constant 0 : i32
      %dma_wait3A_84 = tpu.memref_slice %arg3[%arg1, %dma_wait3A, %dma_wait3A_83] : memref<16x80x128xi32, #tpu.memory_space<hbm>> -> memref<1x80x128xi32, #tpu.memory_space<hbm>>
      %dma_wait3A_85 = tpu.memref_squeeze %dma_wait3A_84 : memref<1x80x128xi32, #tpu.memory_space<hbm>> -> memref<80x128xi32, #tpu.memory_space<hbm>>
      %dma_wait3A_86 = arith.constant 0 : i32
      %dma_wait3A_87 = arith.constant 0 : i32
      %dma_wait3A_88 = tpu.memref_slice %arg3[%arg1, %dma_wait3A_86, %dma_wait3A_87] : memref<16x80x128xi32, #tpu.memory_space<hbm>> -> memref<1x80x128xi32, #tpu.memory_space<hbm>>
      %dma_wait3A_89 = tpu.memref_squeeze %dma_wait3A_88 : memref<1x80x128xi32, #tpu.memory_space<hbm>> -> memref<80x128xi32, #tpu.memory_space<hbm>>
      tpu.wait_dma2 semaphore(%run_scoped3A : memref<!tpu.dma_semaphore, #tpu.memory_space<semaphore_mem>>) src(%dma_wait3A_89 : memref<80x128xi32, #tpu.memory_space<hbm>>) dst(%arg9 : memref<80x128xi32, #tpu.memory_space<vmem>>)
      tpu.yield
    }) : () -> ()
    "tpu.region"() ({
      %run_scoped3A = tpu.sem_alloc : memref<!tpu.dma_semaphore, #tpu.memory_space<semaphore_mem>>
      %dma_start3A = arith.constant 0 : i32
      %dma_start3A_76 = arith.constant 0 : i32
      %dma_start3A_77 = tpu.memref_slice %arg4[%arg1, %dma_start3A, %dma_start3A_76] : memref<16x80x128xi32, #tpu.memory_space<hbm>> -> memref<1x80x128xi32, #tpu.memory_space<hbm>>
      %dma_start3A_78 = tpu.memref_squeeze %dma_start3A_77 : memref<1x80x128xi32, #tpu.memory_space<hbm>> -> memref<80x128xi32, #tpu.memory_space<hbm>>
      %dma_start3A_79 = arith.constant 0 : i32
      %dma_start3A_80 = arith.constant 0 : i32
      %dma_start3A_81 = tpu.memref_slice %arg4[%arg1, %dma_start3A_79, %dma_start3A_80] : memref<16x80x128xi32, #tpu.memory_space<hbm>> -> memref<1x80x128xi32, #tpu.memory_space<hbm>>
      %dma_start3A_82 = tpu.memref_squeeze %dma_start3A_81 : memref<1x80x128xi32, #tpu.memory_space<hbm>> -> memref<80x128xi32, #tpu.memory_space<hbm>>
      tpu.enqueue_dma source(%dma_start3A_82 : memref<80x128xi32, #tpu.memory_space<hbm>>) target(%arg10 : memref<80x128xi32, #tpu.memory_space<vmem>>) target_semaphore(%run_scoped3A : memref<!tpu.dma_semaphore, #tpu.memory_space<semaphore_mem>>)
      %dma_wait3A = arith.constant 0 : i32
      %dma_wait3A_83 = arith.constant 0 : i32
      %dma_wait3A_84 = tpu.memref_slice %arg4[%arg1, %dma_wait3A, %dma_wait3A_83] : memref<16x80x128xi32, #tpu.memory_space<hbm>> -> memref<1x80x128xi32, #tpu.memory_space<hbm>>
      %dma_wait3A_85 = tpu.memref_squeeze %dma_wait3A_84 : memref<1x80x128xi32, #tpu.memory_space<hbm>> -> memref<80x128xi32, #tpu.memory_space<hbm>>
      %dma_wait3A_86 = arith.constant 0 : i32
      %dma_wait3A_87 = arith.constant 0 : i32
      %dma_wait3A_88 = tpu.memref_slice %arg4[%arg1, %dma_wait3A_86, %dma_wait3A_87] : memref<16x80x128xi32, #tpu.memory_space<hbm>> -> memref<1x80x128xi32, #tpu.memory_space<hbm>>
      %dma_wait3A_89 = tpu.memref_squeeze %dma_wait3A_88 : memref<1x80x128xi32, #tpu.memory_space<hbm>> -> memref<80x128xi32, #tpu.memory_space<hbm>>
      tpu.wait_dma2 semaphore(%run_scoped3A : memref<!tpu.dma_semaphore, #tpu.memory_space<semaphore_mem>>) src(%dma_wait3A_89 : memref<80x128xi32, #tpu.memory_space<hbm>>) dst(%arg10 : memref<80x128xi32, #tpu.memory_space<vmem>>)
      tpu.yield
    }) : () -> ()
    "tpu.region"() ({
      %run_scoped3A = tpu.sem_alloc : memref<!tpu.dma_semaphore, #tpu.memory_space<semaphore_mem>>
      tpu.enqueue_dma source(%arg5 : memref<128x8xf32, #tpu.memory_space<hbm>>) target(%arg16 : memref<128x8xf32, #tpu.memory_space<vmem>>) target_semaphore(%run_scoped3A : memref<!tpu.dma_semaphore, #tpu.memory_space<semaphore_mem>>)
      tpu.wait_dma2 semaphore(%run_scoped3A : memref<!tpu.dma_semaphore, #tpu.memory_space<semaphore_mem>>) src(%arg5 : memref<128x8xf32, #tpu.memory_space<hbm>>) dst(%arg16 : memref<128x8xf32, #tpu.memory_space<vmem>>)
      tpu.yield
    }) : () -> ()
    "tpu.region"() ({
      %run_scoped3A = tpu.sem_alloc : memref<!tpu.dma_semaphore, #tpu.memory_space<semaphore_mem>>
      tpu.enqueue_dma source(%arg6 : memref<640x8xf32, #tpu.memory_space<hbm>>) target(%arg15 : memref<640x8xf32, #tpu.memory_space<vmem>>) target_semaphore(%run_scoped3A : memref<!tpu.dma_semaphore, #tpu.memory_space<semaphore_mem>>)
      tpu.wait_dma2 semaphore(%run_scoped3A : memref<!tpu.dma_semaphore, #tpu.memory_space<semaphore_mem>>) src(%arg6 : memref<640x8xf32, #tpu.memory_space<hbm>>) dst(%arg15 : memref<640x8xf32, #tpu.memory_space<vmem>>)
      tpu.yield
    }) : () -> ()
    "tpu.region"() ({
      %run_scoped3A = tpu.sem_alloc : memref<!tpu.dma_semaphore, #tpu.memory_space<semaphore_mem>>
      tpu.enqueue_dma source(%arg7 : memref<16xf32, #tpu.memory_space<hbm>>) target(%arg18 : memref<16xf32, #tpu.memory_space<vmem>>) target_semaphore(%run_scoped3A : memref<!tpu.dma_semaphore, #tpu.memory_space<semaphore_mem>>)
      tpu.wait_dma2 semaphore(%run_scoped3A : memref<!tpu.dma_semaphore, #tpu.memory_space<semaphore_mem>>) src(%arg7 : memref<16xf32, #tpu.memory_space<hbm>>) dst(%arg18 : memref<16xf32, #tpu.memory_space<vmem>>)
      tpu.yield
    }) : () -> ()
    "tpu.region"() ({
      %run_scoped3A = tpu.sem_alloc : memref<!tpu.dma_semaphore, #tpu.memory_space<semaphore_mem>>
      %dma_start3A = arith.constant 0 : i32
      %dma_start3A_76 = tpu.memref_slice %arg19[%mul3A_0, %dma_start3A] : memref<10240x8xf32, #tpu.memory_space<vmem_shared>> -> memref<640x8xf32, #tpu.memory_space<vmem_shared>>
      %dma_start3A_77 = arith.constant 0 : i32
      %dma_start3A_78 = tpu.memref_slice %arg19[%mul3A_0, %dma_start3A_77] : memref<10240x8xf32, #tpu.memory_space<vmem_shared>> -> memref<640x8xf32, #tpu.memory_space<vmem_shared>>
      tpu.enqueue_dma source(%arg15 : memref<640x8xf32, #tpu.memory_space<vmem>>) target(%dma_start3A_78 : memref<640x8xf32, #tpu.memory_space<vmem_shared>>) target_semaphore(%run_scoped3A : memref<!tpu.dma_semaphore, #tpu.memory_space<semaphore_mem>>)
      %dma_wait3A = arith.constant 0 : i32
      %dma_wait3A_79 = tpu.memref_slice %arg19[%mul3A_0, %dma_wait3A] : memref<10240x8xf32, #tpu.memory_space<vmem_shared>> -> memref<640x8xf32, #tpu.memory_space<vmem_shared>>
      %dma_wait3A_80 = arith.constant 0 : i32
      %dma_wait3A_81 = tpu.memref_slice %arg19[%mul3A_0, %dma_wait3A_80] : memref<10240x8xf32, #tpu.memory_space<vmem_shared>> -> memref<640x8xf32, #tpu.memory_space<vmem_shared>>
      tpu.wait_dma2 semaphore(%run_scoped3A : memref<!tpu.dma_semaphore, #tpu.memory_space<semaphore_mem>>) src(%arg15 : memref<640x8xf32, #tpu.memory_space<vmem>>) dst(%dma_wait3A_81 : memref<640x8xf32, #tpu.memory_space<vmem_shared>>)
      tpu.yield
    }) : () -> ()
    %barrier3A = arith.constant 0 : index
    tpu.barrier barrier_id(%barrier3A)
    %scan3A = arith.constant 0 : i32
    %scan3A_5 = arith.constant 0 : i32
    %scan3A_6 = arith.constant 80 : i32
    %scan3A_7 = arith.addi %scan3A_5, %scan3A_6 : i32
    %scan3A_8 = arith.constant 1 : i32
    scf.for %scan3A_76 = %scan3A_5 to %scan3A_7 step %scan3A_8  : i32 {
      %dma_start3A = arith.constant 0 : i32
      %dma_start3A_77 = tpu.memref_slice %arg10[%scan3A_76, %dma_start3A] : memref<80x128xi32, #tpu.memory_space<vmem>> -> memref<1x128xi32, #tpu.memory_space<vmem>>
      %dma_start3A_78 = tpu.memref_squeeze %dma_start3A_77 : memref<1x128xi32, #tpu.memory_space<vmem>> -> memref<128xi32, #tpu.memory_space<vmem>>
      %dma_start3A_79 = arith.constant 0 : i32
      %dma_start3A_80 = arith.constant 0 : i32
      %dma_start3A_81 = tpu.memref_slice %arg19[%dma_start3A_79, %dma_start3A_80] : memref<10240x8xf32, #tpu.memory_space<vmem_shared>> -> memref<10240x8xf32, #tpu.memory_space<vmem_shared>>
      tpu.enqueue_indirect_dma source(%arg16 : memref<128x8xf32, #tpu.memory_space<vmem>>) target(%dma_start3A_81 : memref<10240x8xf32, #tpu.memory_space<vmem_shared>>) offsets(%dma_start3A_78 : memref<128xi32, #tpu.memory_space<vmem>>) semaphore(%arg22 : memref<!tpu.dma_semaphore, #tpu.memory_space<semaphore_mem>>) {add = true}
    }
    %scan3A_9 = arith.constant 80 : i32
    %scan3A_10 = arith.constant 0 : i32
    %scan3A_11 = arith.constant 0 : i32
    %scan3A_12 = arith.constant 80 : i32
    %scan3A_13 = arith.addi %scan3A_11, %scan3A_12 : i32
    %scan3A_14 = arith.constant 1 : i32
    scf.for %scan3A_76 = %scan3A_11 to %scan3A_13 step %scan3A_14  : i32 {
      tpu.wait_dma2 semaphore(%arg22 : memref<!tpu.dma_semaphore, #tpu.memory_space<semaphore_mem>>) src(%arg5 : memref<128x8xf32, #tpu.memory_space<hbm>>) dst(%arg16 : memref<128x8xf32, #tpu.memory_space<vmem>>)
    }
    %scan3A_15 = arith.constant 80 : i32
    %barrier3A_16 = arith.constant 0 : index
    tpu.barrier barrier_id(%barrier3A_16)
    "tpu.region"() ({
      %run_scoped3A = tpu.sem_alloc : memref<!tpu.dma_semaphore, #tpu.memory_space<semaphore_mem>>
      %dma_start3A = arith.constant 0 : i32
      %dma_start3A_76 = tpu.memref_slice %arg19[%mul3A_0, %dma_start3A] : memref<10240x8xf32, #tpu.memory_space<vmem_shared>> -> memref<640x8xf32, #tpu.memory_space<vmem_shared>>
      %dma_start3A_77 = arith.constant 0 : i32
      %dma_start3A_78 = tpu.memref_slice %arg19[%mul3A_0, %dma_start3A_77] : memref<10240x8xf32, #tpu.memory_space<vmem_shared>> -> memref<640x8xf32, #tpu.memory_space<vmem_shared>>
      tpu.enqueue_dma source(%dma_start3A_78 : memref<640x8xf32, #tpu.memory_space<vmem_shared>>) target(%arg14 : memref<640x8xf32, #tpu.memory_space<vmem>>) target_semaphore(%run_scoped3A : memref<!tpu.dma_semaphore, #tpu.memory_space<semaphore_mem>>)
      %dma_wait3A = arith.constant 0 : i32
      %dma_wait3A_79 = tpu.memref_slice %arg19[%mul3A_0, %dma_wait3A] : memref<10240x8xf32, #tpu.memory_space<vmem_shared>> -> memref<640x8xf32, #tpu.memory_space<vmem_shared>>
      %dma_wait3A_80 = arith.constant 0 : i32
      %dma_wait3A_81 = tpu.memref_slice %arg19[%mul3A_0, %dma_wait3A_80] : memref<10240x8xf32, #tpu.memory_space<vmem_shared>> -> memref<640x8xf32, #tpu.memory_space<vmem_shared>>
      tpu.wait_dma2 semaphore(%run_scoped3A : memref<!tpu.dma_semaphore, #tpu.memory_space<semaphore_mem>>) src(%dma_wait3A_81 : memref<640x8xf32, #tpu.memory_space<vmem_shared>>) dst(%arg14 : memref<640x8xf32, #tpu.memory_space<vmem>>)
      tpu.yield
    }) : () -> ()
    "tpu.region"() ({
      %run_scoped3A = tpu.sem_alloc : memref<!tpu.dma_semaphore, #tpu.memory_space<semaphore_mem>>
      %dma_start3A = arith.constant 0 : i32
      %dma_start3A_76 = tpu.memref_slice %arg19[%mul3A_0, %dma_start3A] : memref<10240x8xf32, #tpu.memory_space<vmem_shared>> -> memref<640x8xf32, #tpu.memory_space<vmem_shared>>
      %dma_start3A_77 = arith.constant 0 : i32
      %dma_start3A_78 = tpu.memref_slice %arg19[%mul3A_0, %dma_start3A_77] : memref<10240x8xf32, #tpu.memory_space<vmem_shared>> -> memref<640x8xf32, #tpu.memory_space<vmem_shared>>
      tpu.enqueue_dma source(%arg15 : memref<640x8xf32, #tpu.memory_space<vmem>>) target(%dma_start3A_78 : memref<640x8xf32, #tpu.memory_space<vmem_shared>>) target_semaphore(%run_scoped3A : memref<!tpu.dma_semaphore, #tpu.memory_space<semaphore_mem>>)
      %dma_wait3A = arith.constant 0 : i32
      %dma_wait3A_79 = tpu.memref_slice %arg19[%mul3A_0, %dma_wait3A] : memref<10240x8xf32, #tpu.memory_space<vmem_shared>> -> memref<640x8xf32, #tpu.memory_space<vmem_shared>>
      %dma_wait3A_80 = arith.constant 0 : i32
      %dma_wait3A_81 = tpu.memref_slice %arg19[%mul3A_0, %dma_wait3A_80] : memref<10240x8xf32, #tpu.memory_space<vmem_shared>> -> memref<640x8xf32, #tpu.memory_space<vmem_shared>>
      tpu.wait_dma2 semaphore(%run_scoped3A : memref<!tpu.dma_semaphore, #tpu.memory_space<semaphore_mem>>) src(%arg15 : memref<640x8xf32, #tpu.memory_space<vmem>>) dst(%dma_wait3A_81 : memref<640x8xf32, #tpu.memory_space<vmem_shared>>)
      tpu.yield
    }) : () -> ()
    "tpu.region"() ({
      %run_scoped3A = tpu.sem_alloc : memref<!tpu.dma_semaphore, #tpu.memory_space<semaphore_mem>>
      %dma_start3A = arith.constant 0 : i32
      %dma_start3A_76 = tpu.memref_slice %arg2[%mul3A_0, %dma_start3A] : memref<10240x8xf32, #tpu.memory_space<hbm>> -> memref<640x8xf32, #tpu.memory_space<hbm>>
      %dma_start3A_77 = arith.constant 0 : i32
      %dma_start3A_78 = tpu.memref_slice %arg2[%mul3A_0, %dma_start3A_77] : memref<10240x8xf32, #tpu.memory_space<hbm>> -> memref<640x8xf32, #tpu.memory_space<hbm>>
      tpu.enqueue_dma source(%dma_start3A_78 : memref<640x8xf32, #tpu.memory_space<hbm>>) target(%arg13 : memref<640x8xf32, #tpu.memory_space<vmem>>) target_semaphore(%run_scoped3A : memref<!tpu.dma_semaphore, #tpu.memory_space<semaphore_mem>>)
      %dma_wait3A = arith.constant 0 : i32
      %dma_wait3A_79 = tpu.memref_slice %arg2[%mul3A_0, %dma_wait3A] : memref<10240x8xf32, #tpu.memory_space<hbm>> -> memref<640x8xf32, #tpu.memory_space<hbm>>
      %dma_wait3A_80 = arith.constant 0 : i32
      %dma_wait3A_81 = tpu.memref_slice %arg2[%mul3A_0, %dma_wait3A_80] : memref<10240x8xf32, #tpu.memory_space<hbm>> -> memref<640x8xf32, #tpu.memory_space<hbm>>
      tpu.wait_dma2 semaphore(%run_scoped3A : memref<!tpu.dma_semaphore, #tpu.memory_space<semaphore_mem>>) src(%dma_wait3A_81 : memref<640x8xf32, #tpu.memory_space<hbm>>) dst(%arg13 : memref<640x8xf32, #tpu.memory_space<vmem>>)
      tpu.yield
    }) : () -> ()
    %scan3A_17 = arith.constant 0 : i32
    %scan3A_18 = arith.constant 0 : i32
    %scan3A_19 = arith.constant 320 : i32
    %scan3A_20 = arith.addi %scan3A_18, %scan3A_19 : i32
    %scan3A_21 = arith.constant 4 : i32
    scf.for %scan3A_76 = %scan3A_18 to %scan3A_20 step %scan3A_21  : i32 {
      %mul3A_77 = arith.constant 2 : i32
      %mul3A_78 = arith.muli %mul3A_77, %scan3A_76 : i32
      %add3A = vector.broadcast %mul3A_78 : i32 to vector<16xi32>
      %add3A_79 = arith.addi %shift_right_arithmetic3A_4, %add3A : vector<16xi32>
      %gather3A = tpu.vector_load_idx %arg14[%add3A_79, %and3A_2] : memref<640x8xf32, #tpu.memory_space<vmem>>[vector<16xi32>, vector<16xi32>], vector<16xf32>,
      %add3A_80 = arith.constant 1.000000e+00 : f32
      %add3A_81 = vector.broadcast %add3A_80 : f32 to vector<16xf32>
      %add3A_82 = arith.addf %gather3A, %add3A_81 : vector<16xf32>
      %gather3A_83 = tpu.vector_load_idx %arg13[%add3A_79, %and3A_2] : memref<640x8xf32, #tpu.memory_space<vmem>>[vector<16xi32>, vector<16xi32>], vector<16xf32>,
      %bitcast3A = vector.bitcast %add3A_82 : vector<16xf32> to vector<16xi32>
      %shift_right_arithmetic3A_84 = arith.constant 1 : i32
      %shift_right_arithmetic3A_85 = vector.broadcast %shift_right_arithmetic3A_84 : i32 to vector<16xi32>
      %shift_right_arithmetic3A_86 = arith.shrsi %bitcast3A, %shift_right_arithmetic3A_85 : vector<16xi32>
      %sub3A = arith.constant 1597463007 : i32
      %sub3A_87 = vector.broadcast %sub3A : i32 to vector<16xi32>
      %sub3A_88 = arith.subi %sub3A_87, %shift_right_arithmetic3A_86 : vector<16xi32>
      %bitcast3A_89 = vector.bitcast %sub3A_88 : vector<16xi32> to vector<16xf32>
      %mul3A_90 = arith.constant 5.000000e-01 : f32
      %mul3A_91 = vector.broadcast %mul3A_90 : f32 to vector<16xf32>
      %mul3A_92 = arith.mulf %mul3A_91, %add3A_82 : vector<16xf32>
      %mul3A_93 = arith.mulf %mul3A_92, %bitcast3A_89 : vector<16xf32>
      %mul3A_94 = arith.mulf %mul3A_93, %bitcast3A_89 : vector<16xf32>
      %sub3A_95 = arith.constant 1.500000e+00 : f32
      %sub3A_96 = vector.broadcast %sub3A_95 : f32 to vector<16xf32>
      %sub3A_97 = arith.subf %sub3A_96, %mul3A_94 : vector<16xf32>
      %mul3A_98 = arith.mulf %bitcast3A_89, %sub3A_97 : vector<16xf32>
      %mul3A_99 = arith.constant 5.000000e-01 : f32
      %mul3A_100 = vector.broadcast %mul3A_99 : f32 to vector<16xf32>
      %mul3A_101 = arith.mulf %mul3A_100, %add3A_82 : vector<16xf32>
      %mul3A_102 = arith.mulf %mul3A_101, %mul3A_98 : vector<16xf32>
      %mul3A_103 = arith.mulf %mul3A_102, %mul3A_98 : vector<16xf32>
      %sub3A_104 = arith.constant 1.500000e+00 : f32
      %sub3A_105 = vector.broadcast %sub3A_104 : f32 to vector<16xf32>
      %sub3A_106 = arith.subf %sub3A_105, %mul3A_103 : vector<16xf32>
      %mul3A_107 = arith.mulf %mul3A_98, %sub3A_106 : vector<16xf32>
      tpu.vector_store_idx %arg13[%add3A_79, %and3A_2], %mul3A_107 : memref<640x8xf32, #tpu.memory_space<vmem>>[vector<16xi32>, vector<16xi32>], vector<16xf32>,
      %mul3A_108 = arith.mulf %mul3A_107, %gather3A_83 : vector<16xf32>
      tpu.vector_store_idx %arg12[%add3A_79, %and3A_2], %mul3A_108 : memref<640x8xf32, #tpu.memory_space<vmem>>[vector<16xi32>, vector<16xi32>], vector<16xf32>,
      %scan3A_109 = arith.constant 1 : i32
      %scan3A_110 = arith.addi %scan3A_76, %scan3A_109 : i32
      %mul3A_111 = arith.constant 2 : i32
      %mul3A_112 = arith.muli %mul3A_111, %scan3A_110 : i32
      %add3A_113 = vector.broadcast %mul3A_112 : i32 to vector<16xi32>
      %add3A_114 = arith.addi %shift_right_arithmetic3A_4, %add3A_113 : vector<16xi32>
      %gather3A_115 = tpu.vector_load_idx %arg14[%add3A_114, %and3A_2] : memref<640x8xf32, #tpu.memory_space<vmem>>[vector<16xi32>, vector<16xi32>], vector<16xf32>,
      %add3A_116 = arith.constant 1.000000e+00 : f32
      %add3A_117 = vector.broadcast %add3A_116 : f32 to vector<16xf32>
      %add3A_118 = arith.addf %gather3A_115, %add3A_117 : vector<16xf32>
      %gather3A_119 = tpu.vector_load_idx %arg13[%add3A_114, %and3A_2] : memref<640x8xf32, #tpu.memory_space<vmem>>[vector<16xi32>, vector<16xi32>], vector<16xf32>,
      %bitcast3A_120 = vector.bitcast %add3A_118 : vector<16xf32> to vector<16xi32>
      %shift_right_arithmetic3A_121 = arith.constant 1 : i32
      %shift_right_arithmetic3A_122 = vector.broadcast %shift_right_arithmetic3A_121 : i32 to vector<16xi32>
      %shift_right_arithmetic3A_123 = arith.shrsi %bitcast3A_120, %shift_right_arithmetic3A_122 : vector<16xi32>
      %sub3A_124 = arith.constant 1597463007 : i32
      %sub3A_125 = vector.broadcast %sub3A_124 : i32 to vector<16xi32>
      %sub3A_126 = arith.subi %sub3A_125, %shift_right_arithmetic3A_123 : vector<16xi32>
      %bitcast3A_127 = vector.bitcast %sub3A_126 : vector<16xi32> to vector<16xf32>
      %mul3A_128 = arith.constant 5.000000e-01 : f32
      %mul3A_129 = vector.broadcast %mul3A_128 : f32 to vector<16xf32>
      %mul3A_130 = arith.mulf %mul3A_129, %add3A_118 : vector<16xf32>
      %mul3A_131 = arith.mulf %mul3A_130, %bitcast3A_127 : vector<16xf32>
      %mul3A_132 = arith.mulf %mul3A_131, %bitcast3A_127 : vector<16xf32>
      %sub3A_133 = arith.constant 1.500000e+00 : f32
      %sub3A_134 = vector.broadcast %sub3A_133 : f32 to vector<16xf32>
      %sub3A_135 = arith.subf %sub3A_134, %mul3A_132 : vector<16xf32>
      %mul3A_136 = arith.mulf %bitcast3A_127, %sub3A_135 : vector<16xf32>
      %mul3A_137 = arith.constant 5.000000e-01 : f32
      %mul3A_138 = vector.broadcast %mul3A_137 : f32 to vector<16xf32>
      %mul3A_139 = arith.mulf %mul3A_138, %add3A_118 : vector<16xf32>
      %mul3A_140 = arith.mulf %mul3A_139, %mul3A_136 : vector<16xf32>
      %mul3A_141 = arith.mulf %mul3A_140, %mul3A_136 : vector<16xf32>
      %sub3A_142 = arith.constant 1.500000e+00 : f32
      %sub3A_143 = vector.broadcast %sub3A_142 : f32 to vector<16xf32>
      %sub3A_144 = arith.subf %sub3A_143, %mul3A_141 : vector<16xf32>
      %mul3A_145 = arith.mulf %mul3A_136, %sub3A_144 : vector<16xf32>
      tpu.vector_store_idx %arg13[%add3A_114, %and3A_2], %mul3A_145 : memref<640x8xf32, #tpu.memory_space<vmem>>[vector<16xi32>, vector<16xi32>], vector<16xf32>,
      %mul3A_146 = arith.mulf %mul3A_145, %gather3A_119 : vector<16xf32>
      tpu.vector_store_idx %arg12[%add3A_114, %and3A_2], %mul3A_146 : memref<640x8xf32, #tpu.memory_space<vmem>>[vector<16xi32>, vector<16xi32>], vector<16xf32>,
      %scan3A_147 = arith.constant 2 : i32
      %scan3A_148 = arith.addi %scan3A_76, %scan3A_147 : i32
      %mul3A_149 = arith.constant 2 : i32
      %mul3A_150 = arith.muli %mul3A_149, %scan3A_148 : i32
      %add3A_151 = vector.broadcast %mul3A_150 : i32 to vector<16xi32>
      %add3A_152 = arith.addi %shift_right_arithmetic3A_4, %add3A_151 : vector<16xi32>
      %gather3A_153 = tpu.vector_load_idx %arg14[%add3A_152, %and3A_2] : memref<640x8xf32, #tpu.memory_space<vmem>>[vector<16xi32>, vector<16xi32>], vector<16xf32>,
      %add3A_154 = arith.constant 1.000000e+00 : f32
      %add3A_155 = vector.broadcast %add3A_154 : f32 to vector<16xf32>
      %add3A_156 = arith.addf %gather3A_153, %add3A_155 : vector<16xf32>
      %gather3A_157 = tpu.vector_load_idx %arg13[%add3A_152, %and3A_2] : memref<640x8xf32, #tpu.memory_space<vmem>>[vector<16xi32>, vector<16xi32>], vector<16xf32>,
      %bitcast3A_158 = vector.bitcast %add3A_156 : vector<16xf32> to vector<16xi32>
      %shift_right_arithmetic3A_159 = arith.constant 1 : i32
      %shift_right_arithmetic3A_160 = vector.broadcast %shift_right_arithmetic3A_159 : i32 to vector<16xi32>
      %shift_right_arithmetic3A_161 = arith.shrsi %bitcast3A_158, %shift_right_arithmetic3A_160 : vector<16xi32>
      %sub3A_162 = arith.constant 1597463007 : i32
      %sub3A_163 = vector.broadcast %sub3A_162 : i32 to vector<16xi32>
      %sub3A_164 = arith.subi %sub3A_163, %shift_right_arithmetic3A_161 : vector<16xi32>
      %bitcast3A_165 = vector.bitcast %sub3A_164 : vector<16xi32> to vector<16xf32>
      %mul3A_166 = arith.constant 5.000000e-01 : f32
      %mul3A_167 = vector.broadcast %mul3A_166 : f32 to vector<16xf32>
      %mul3A_168 = arith.mulf %mul3A_167, %add3A_156 : vector<16xf32>
      %mul3A_169 = arith.mulf %mul3A_168, %bitcast3A_165 : vector<16xf32>
      %mul3A_170 = arith.mulf %mul3A_169, %bitcast3A_165 : vector<16xf32>
      %sub3A_171 = arith.constant 1.500000e+00 : f32
      %sub3A_172 = vector.broadcast %sub3A_171 : f32 to vector<16xf32>
      %sub3A_173 = arith.subf %sub3A_172, %mul3A_170 : vector<16xf32>
      %mul3A_174 = arith.mulf %bitcast3A_165, %sub3A_173 : vector<16xf32>
      %mul3A_175 = arith.constant 5.000000e-01 : f32
      %mul3A_176 = vector.broadcast %mul3A_175 : f32 to vector<16xf32>
      %mul3A_177 = arith.mulf %mul3A_176, %add3A_156 : vector<16xf32>
      %mul3A_178 = arith.mulf %mul3A_177, %mul3A_174 : vector<16xf32>
      %mul3A_179 = arith.mulf %mul3A_178, %mul3A_174 : vector<16xf32>
      %sub3A_180 = arith.constant 1.500000e+00 : f32
      %sub3A_181 = vector.broadcast %sub3A_180 : f32 to vector<16xf32>
      %sub3A_182 = arith.subf %sub3A_181, %mul3A_179 : vector<16xf32>
      %mul3A_183 = arith.mulf %mul3A_174, %sub3A_182 : vector<16xf32>
      tpu.vector_store_idx %arg13[%add3A_152, %and3A_2], %mul3A_183 : memref<640x8xf32, #tpu.memory_space<vmem>>[vector<16xi32>, vector<16xi32>], vector<16xf32>,
      %mul3A_184 = arith.mulf %mul3A_183, %gather3A_157 : vector<16xf32>
      tpu.vector_store_idx %arg12[%add3A_152, %and3A_2], %mul3A_184 : memref<640x8xf32, #tpu.memory_space<vmem>>[vector<16xi32>, vector<16xi32>], vector<16xf32>,
      %scan3A_185 = arith.constant 3 : i32
      %scan3A_186 = arith.addi %scan3A_76, %scan3A_185 : i32
      %mul3A_187 = arith.constant 2 : i32
      %mul3A_188 = arith.muli %mul3A_187, %scan3A_186 : i32
      %add3A_189 = vector.broadcast %mul3A_188 : i32 to vector<16xi32>
      %add3A_190 = arith.addi %shift_right_arithmetic3A_4, %add3A_189 : vector<16xi32>
      %gather3A_191 = tpu.vector_load_idx %arg14[%add3A_190, %and3A_2] : memref<640x8xf32, #tpu.memory_space<vmem>>[vector<16xi32>, vector<16xi32>], vector<16xf32>,
      %add3A_192 = arith.constant 1.000000e+00 : f32
      %add3A_193 = vector.broadcast %add3A_192 : f32 to vector<16xf32>
      %add3A_194 = arith.addf %gather3A_191, %add3A_193 : vector<16xf32>
      %gather3A_195 = tpu.vector_load_idx %arg13[%add3A_190, %and3A_2] : memref<640x8xf32, #tpu.memory_space<vmem>>[vector<16xi32>, vector<16xi32>], vector<16xf32>,
      %bitcast3A_196 = vector.bitcast %add3A_194 : vector<16xf32> to vector<16xi32>
      %shift_right_arithmetic3A_197 = arith.constant 1 : i32
      %shift_right_arithmetic3A_198 = vector.broadcast %shift_right_arithmetic3A_197 : i32 to vector<16xi32>
      %shift_right_arithmetic3A_199 = arith.shrsi %bitcast3A_196, %shift_right_arithmetic3A_198 : vector<16xi32>
      %sub3A_200 = arith.constant 1597463007 : i32
      %sub3A_201 = vector.broadcast %sub3A_200 : i32 to vector<16xi32>
      %sub3A_202 = arith.subi %sub3A_201, %shift_right_arithmetic3A_199 : vector<16xi32>
      %bitcast3A_203 = vector.bitcast %sub3A_202 : vector<16xi32> to vector<16xf32>
      %mul3A_204 = arith.constant 5.000000e-01 : f32
      %mul3A_205 = vector.broadcast %mul3A_204 : f32 to vector<16xf32>
      %mul3A_206 = arith.mulf %mul3A_205, %add3A_194 : vector<16xf32>
      %mul3A_207 = arith.mulf %mul3A_206, %bitcast3A_203 : vector<16xf32>
      %mul3A_208 = arith.mulf %mul3A_207, %bitcast3A_203 : vector<16xf32>
      %sub3A_209 = arith.constant 1.500000e+00 : f32
      %sub3A_210 = vector.broadcast %sub3A_209 : f32 to vector<16xf32>
      %sub3A_211 = arith.subf %sub3A_210, %mul3A_208 : vector<16xf32>
      %mul3A_212 = arith.mulf %bitcast3A_203, %sub3A_211 : vector<16xf32>
      %mul3A_213 = arith.constant 5.000000e-01 : f32
      %mul3A_214 = vector.broadcast %mul3A_213 : f32 to vector<16xf32>
      %mul3A_215 = arith.mulf %mul3A_214, %add3A_194 : vector<16xf32>
      %mul3A_216 = arith.mulf %mul3A_215, %mul3A_212 : vector<16xf32>
      %mul3A_217 = arith.mulf %mul3A_216, %mul3A_212 : vector<16xf32>
      %sub3A_218 = arith.constant 1.500000e+00 : f32
      %sub3A_219 = vector.broadcast %sub3A_218 : f32 to vector<16xf32>
      %sub3A_220 = arith.subf %sub3A_219, %mul3A_217 : vector<16xf32>
      %mul3A_221 = arith.mulf %mul3A_212, %sub3A_220 : vector<16xf32>
      tpu.vector_store_idx %arg13[%add3A_190, %and3A_2], %mul3A_221 : memref<640x8xf32, #tpu.memory_space<vmem>>[vector<16xi32>, vector<16xi32>], vector<16xf32>,
      %mul3A_222 = arith.mulf %mul3A_221, %gather3A_195 : vector<16xf32>
      tpu.vector_store_idx %arg12[%add3A_190, %and3A_2], %mul3A_222 : memref<640x8xf32, #tpu.memory_space<vmem>>[vector<16xi32>, vector<16xi32>], vector<16xf32>,
    }
    %scan3A_22 = arith.constant 320 : i32
    "tpu.region"() ({
      %run_scoped3A = tpu.sem_alloc : memref<!tpu.dma_semaphore, #tpu.memory_space<semaphore_mem>>
      %dma_start3A = arith.constant 0 : i32
      %dma_start3A_76 = tpu.memref_slice %arg20[%mul3A_0, %dma_start3A] : memref<10240x8xf32, #tpu.memory_space<vmem_shared>> -> memref<640x8xf32, #tpu.memory_space<vmem_shared>>
      %dma_start3A_77 = arith.constant 0 : i32
      %dma_start3A_78 = tpu.memref_slice %arg20[%mul3A_0, %dma_start3A_77] : memref<10240x8xf32, #tpu.memory_space<vmem_shared>> -> memref<640x8xf32, #tpu.memory_space<vmem_shared>>
      tpu.enqueue_dma source(%arg12 : memref<640x8xf32, #tpu.memory_space<vmem>>) target(%dma_start3A_78 : memref<640x8xf32, #tpu.memory_space<vmem_shared>>) target_semaphore(%run_scoped3A : memref<!tpu.dma_semaphore, #tpu.memory_space<semaphore_mem>>)
      %dma_wait3A = arith.constant 0 : i32
      %dma_wait3A_79 = tpu.memref_slice %arg20[%mul3A_0, %dma_wait3A] : memref<10240x8xf32, #tpu.memory_space<vmem_shared>> -> memref<640x8xf32, #tpu.memory_space<vmem_shared>>
      %dma_wait3A_80 = arith.constant 0 : i32
      %dma_wait3A_81 = tpu.memref_slice %arg20[%mul3A_0, %dma_wait3A_80] : memref<10240x8xf32, #tpu.memory_space<vmem_shared>> -> memref<640x8xf32, #tpu.memory_space<vmem_shared>>
      tpu.wait_dma2 semaphore(%run_scoped3A : memref<!tpu.dma_semaphore, #tpu.memory_space<semaphore_mem>>) src(%arg12 : memref<640x8xf32, #tpu.memory_space<vmem>>) dst(%dma_wait3A_81 : memref<640x8xf32, #tpu.memory_space<vmem_shared>>)
      tpu.yield
    }) : () -> ()
    %barrier3A_23 = arith.constant 0 : index
    tpu.barrier barrier_id(%barrier3A_23)
    %scan3A_24 = arith.constant 0 : i32
    %scan3A_25 = arith.constant 0 : i32
    %scan3A_26 = arith.constant 8 : i32
    %scan3A_27 = arith.addi %scan3A_25, %scan3A_26 : i32
    %scan3A_28 = arith.constant 1 : i32
    scf.for %scan3A_76 = %scan3A_25 to %scan3A_27 step %scan3A_28  : i32 {
      %dma_start3A = arith.constant 0 : i32
      %dma_start3A_77 = arith.constant 0 : i32
      %dma_start3A_78 = tpu.memref_slice %arg11[%scan3A_76, %dma_start3A, %dma_start3A_77] : memref<16x128x8xf32, #tpu.memory_space<vmem>> -> memref<1x128x8xf32, #tpu.memory_space<vmem>>
      %dma_start3A_79 = tpu.memref_squeeze %dma_start3A_78 : memref<1x128x8xf32, #tpu.memory_space<vmem>> -> memref<128x8xf32, #tpu.memory_space<vmem>>
      %dma_start3A_80 = arith.constant 0 : i32
      %dma_start3A_81 = tpu.memref_slice %arg9[%scan3A_76, %dma_start3A_80] : memref<80x128xi32, #tpu.memory_space<vmem>> -> memref<1x128xi32, #tpu.memory_space<vmem>>
      %dma_start3A_82 = tpu.memref_squeeze %dma_start3A_81 : memref<1x128xi32, #tpu.memory_space<vmem>> -> memref<128xi32, #tpu.memory_space<vmem>>
      %dma_start3A_83 = arith.constant 0 : i32
      %dma_start3A_84 = arith.constant 0 : i32
      %dma_start3A_85 = tpu.memref_slice %arg20[%dma_start3A_83, %dma_start3A_84] : memref<10240x8xf32, #tpu.memory_space<vmem_shared>> -> memref<10240x8xf32, #tpu.memory_space<vmem_shared>>
      tpu.enqueue_indirect_dma source(%dma_start3A_85 : memref<10240x8xf32, #tpu.memory_space<vmem_shared>>) target(%dma_start3A_79 : memref<128x8xf32, #tpu.memory_space<vmem>>) offsets(%dma_start3A_82 : memref<128xi32, #tpu.memory_space<vmem>>) semaphore(%arg21 : memref<!tpu.dma_semaphore, #tpu.memory_space<semaphore_mem>>)
    }
    %scan3A_29 = arith.constant 8 : i32
    %scan3A_30 = arith.constant 0 : i32
    %scan3A_31 = arith.constant 0 : i32
    %scan3A_32 = arith.constant 80 : i32
    %scan3A_33 = arith.addi %scan3A_31, %scan3A_32 : i32
    %scan3A_34 = arith.constant 1 : i32
    scf.for %scan3A_76 = %scan3A_31 to %scan3A_33 step %scan3A_34  : i32 {
      %dma_wait3A = arith.constant 0 : i32
      %dma_wait3A_77 = arith.constant 0 : i32
      %dma_wait3A_78 = arith.constant 0 : i32
      %dma_wait3A_79 = tpu.memref_slice %arg11[%dma_wait3A, %dma_wait3A_77, %dma_wait3A_78] : memref<16x128x8xf32, #tpu.memory_space<vmem>> -> memref<1x128x8xf32, #tpu.memory_space<vmem>>
      %dma_wait3A_80 = tpu.memref_squeeze %dma_wait3A_79 : memref<1x128x8xf32, #tpu.memory_space<vmem>> -> memref<128x8xf32, #tpu.memory_space<vmem>>
      %dma_wait3A_81 = arith.constant 0 : i32
      %dma_wait3A_82 = arith.constant 0 : i32
      %dma_wait3A_83 = tpu.memref_slice %arg20[%dma_wait3A_81, %dma_wait3A_82] : memref<10240x8xf32, #tpu.memory_space<vmem_shared>> -> memref<128x8xf32, #tpu.memory_space<vmem_shared>>
      %dma_wait3A_84 = arith.constant 0 : i32
      %dma_wait3A_85 = arith.constant 0 : i32
      %dma_wait3A_86 = tpu.memref_slice %arg11[%dma_wait3A, %dma_wait3A_84, %dma_wait3A_85] : memref<16x128x8xf32, #tpu.memory_space<vmem>> -> memref<1x128x8xf32, #tpu.memory_space<vmem>>
      %dma_wait3A_87 = tpu.memref_squeeze %dma_wait3A_86 : memref<1x128x8xf32, #tpu.memory_space<vmem>> -> memref<128x8xf32, #tpu.memory_space<vmem>>
      %dma_wait3A_88 = arith.constant 0 : i32
      %dma_wait3A_89 = arith.constant 0 : i32
      %dma_wait3A_90 = tpu.memref_slice %arg20[%dma_wait3A_88, %dma_wait3A_89] : memref<10240x8xf32, #tpu.memory_space<vmem_shared>> -> memref<128x8xf32, #tpu.memory_space<vmem_shared>>
      tpu.wait_dma2 semaphore(%arg21 : memref<!tpu.dma_semaphore, #tpu.memory_space<semaphore_mem>>) src(%dma_wait3A_90 : memref<128x8xf32, #tpu.memory_space<vmem_shared>>) dst(%dma_wait3A_87 : memref<128x8xf32, #tpu.memory_space<vmem>>)
      %and3A_91 = arith.constant 15 : i32
      %and3A_92 = arith.andi %scan3A_76, %and3A_91 : i32
      %dma_start3A = arith.constant 0 : i32
      %dma_start3A_93 = arith.constant 0 : i32
      %dma_start3A_94 = tpu.memref_slice %arg11[%and3A_92, %dma_start3A, %dma_start3A_93] : memref<16x128x8xf32, #tpu.memory_space<vmem>> -> memref<1x128x8xf32, #tpu.memory_space<vmem>>
      %dma_start3A_95 = tpu.memref_squeeze %dma_start3A_94 : memref<1x128x8xf32, #tpu.memory_space<vmem>> -> memref<128x8xf32, #tpu.memory_space<vmem>>
      %dma_start3A_96 = arith.constant 0 : i32
      %dma_start3A_97 = tpu.memref_slice %arg10[%scan3A_76, %dma_start3A_96] : memref<80x128xi32, #tpu.memory_space<vmem>> -> memref<1x128xi32, #tpu.memory_space<vmem>>
      %dma_start3A_98 = tpu.memref_squeeze %dma_start3A_97 : memref<1x128xi32, #tpu.memory_space<vmem>> -> memref<128xi32, #tpu.memory_space<vmem>>
      %dma_start3A_99 = arith.constant 0 : i32
      %dma_start3A_100 = arith.constant 0 : i32
      %dma_start3A_101 = tpu.memref_slice %arg19[%dma_start3A_99, %dma_start3A_100] : memref<10240x8xf32, #tpu.memory_space<vmem_shared>> -> memref<10240x8xf32, #tpu.memory_space<vmem_shared>>
      tpu.enqueue_indirect_dma source(%dma_start3A_95 : memref<128x8xf32, #tpu.memory_space<vmem>>) target(%dma_start3A_101 : memref<10240x8xf32, #tpu.memory_space<vmem_shared>>) offsets(%dma_start3A_98 : memref<128xi32, #tpu.memory_space<vmem>>) semaphore(%arg22 : memref<!tpu.dma_semaphore, #tpu.memory_space<semaphore_mem>>) {add = true}
      %ge3A = arith.constant 8 : i32
      %ge3A_102 = arith.cmpi sge, %scan3A_76, %ge3A : i32
      %convert_element_type3A = arith.extui %ge3A_102 : i1 to i32
      %cond3A = arith.constant 0 : i32
      %cond3A_103 = arith.cmpi ne, %convert_element_type3A, %cond3A : i32
      scf.if %cond3A_103 {
        %dma_wait3A_109 = arith.constant 0 : i32
        %dma_wait3A_110 = arith.constant 0 : i32
        %dma_wait3A_111 = tpu.memref_slice %arg6[%dma_wait3A_109, %dma_wait3A_110] : memref<640x8xf32, #tpu.memory_space<hbm>> -> memref<128x8xf32, #tpu.memory_space<hbm>>
        %dma_wait3A_112 = arith.constant 0 : i32
        %dma_wait3A_113 = arith.constant 0 : i32
        %dma_wait3A_114 = tpu.memref_slice %arg6[%dma_wait3A_112, %dma_wait3A_113] : memref<640x8xf32, #tpu.memory_space<hbm>> -> memref<128x8xf32, #tpu.memory_space<hbm>>
        tpu.wait_dma2 semaphore(%arg22 : memref<!tpu.dma_semaphore, #tpu.memory_space<semaphore_mem>>) src(%dma_wait3A_114 : memref<128x8xf32, #tpu.memory_space<hbm>>) dst(%arg17 : memref<128x8xf32, #tpu.memory_space<vmem>>)
      } else {
      }
      %add3A = arith.constant 8 : i32
      %add3A_104 = arith.addi %scan3A_76, %add3A : i32
      %lt3A = arith.constant 80 : i32
      %lt3A_105 = arith.cmpi slt, %add3A_104, %lt3A : i32
      %convert_element_type3A_106 = arith.extui %lt3A_105 : i1 to i32
      %cond3A_107 = arith.constant 0 : i32
      %cond3A_108 = arith.cmpi ne, %convert_element_type3A_106, %cond3A_107 : i32
      scf.if %cond3A_108 {
        %add3A_109 = arith.constant 8 : i32
        %add3A_110 = arith.addi %scan3A_76, %add3A_109 : i32
        %add3A_111 = arith.constant 8 : i32
        %add3A_112 = arith.addi %scan3A_76, %add3A_111 : i32
        %and3A_113 = arith.constant 15 : i32
        %and3A_114 = arith.andi %add3A_112, %and3A_113 : i32
        %dma_start3A_115 = arith.constant 0 : i32
        %dma_start3A_116 = arith.constant 0 : i32
        %dma_start3A_117 = tpu.memref_slice %arg11[%and3A_114, %dma_start3A_115, %dma_start3A_116] : memref<16x128x8xf32, #tpu.memory_space<vmem>> -> memref<1x128x8xf32, #tpu.memory_space<vmem>>
        %dma_start3A_118 = tpu.memref_squeeze %dma_start3A_117 : memref<1x128x8xf32, #tpu.memory_space<vmem>> -> memref<128x8xf32, #tpu.memory_space<vmem>>
        %dma_start3A_119 = arith.constant 0 : i32
        %dma_start3A_120 = tpu.memref_slice %arg9[%add3A_110, %dma_start3A_119] : memref<80x128xi32, #tpu.memory_space<vmem>> -> memref<1x128xi32, #tpu.memory_space<vmem>>
        %dma_start3A_121 = tpu.memref_squeeze %dma_start3A_120 : memref<1x128xi32, #tpu.memory_space<vmem>> -> memref<128xi32, #tpu.memory_space<vmem>>
        %dma_start3A_122 = arith.constant 0 : i32
        %dma_start3A_123 = arith.constant 0 : i32
        %dma_start3A_124 = tpu.memref_slice %arg20[%dma_start3A_122, %dma_start3A_123] : memref<10240x8xf32, #tpu.memory_space<vmem_shared>> -> memref<10240x8xf32, #tpu.memory_space<vmem_shared>>
        tpu.enqueue_indirect_dma source(%dma_start3A_124 : memref<10240x8xf32, #tpu.memory_space<vmem_shared>>) target(%dma_start3A_118 : memref<128x8xf32, #tpu.memory_space<vmem>>) offsets(%dma_start3A_121 : memref<128xi32, #tpu.memory_space<vmem>>) semaphore(%arg21 : memref<!tpu.dma_semaphore, #tpu.memory_space<semaphore_mem>>)
      } else {
      }
    }
    %scan3A_35 = arith.constant 80 : i32
    %scan3A_36 = arith.constant 0 : i32
    %scan3A_37 = arith.constant 0 : i32
    %scan3A_38 = arith.constant 8 : i32
    %scan3A_39 = arith.addi %scan3A_37, %scan3A_38 : i32
    %scan3A_40 = arith.constant 1 : i32
    scf.for %scan3A_76 = %scan3A_37 to %scan3A_39 step %scan3A_40  : i32 {
      %dma_wait3A = arith.constant 0 : i32
      %dma_wait3A_77 = arith.constant 0 : i32
      %dma_wait3A_78 = tpu.memref_slice %arg6[%dma_wait3A, %dma_wait3A_77] : memref<640x8xf32, #tpu.memory_space<hbm>> -> memref<128x8xf32, #tpu.memory_space<hbm>>
      %dma_wait3A_79 = arith.constant 0 : i32
      %dma_wait3A_80 = arith.constant 0 : i32
      %dma_wait3A_81 = tpu.memref_slice %arg6[%dma_wait3A_79, %dma_wait3A_80] : memref<640x8xf32, #tpu.memory_space<hbm>> -> memref<128x8xf32, #tpu.memory_space<hbm>>
      tpu.wait_dma2 semaphore(%arg22 : memref<!tpu.dma_semaphore, #tpu.memory_space<semaphore_mem>>) src(%dma_wait3A_81 : memref<128x8xf32, #tpu.memory_space<hbm>>) dst(%arg17 : memref<128x8xf32, #tpu.memory_space<vmem>>)
    }
    %scan3A_41 = arith.constant 8 : i32
    %barrier3A_42 = arith.constant 0 : index
    tpu.barrier barrier_id(%barrier3A_42)
    "tpu.region"() ({
      %run_scoped3A = tpu.sem_alloc : memref<!tpu.dma_semaphore, #tpu.memory_space<semaphore_mem>>
      %dma_start3A = arith.constant 0 : i32
      %dma_start3A_76 = tpu.memref_slice %arg19[%mul3A_0, %dma_start3A] : memref<10240x8xf32, #tpu.memory_space<vmem_shared>> -> memref<640x8xf32, #tpu.memory_space<vmem_shared>>
      %dma_start3A_77 = arith.constant 0 : i32
      %dma_start3A_78 = tpu.memref_slice %arg19[%mul3A_0, %dma_start3A_77] : memref<10240x8xf32, #tpu.memory_space<vmem_shared>> -> memref<640x8xf32, #tpu.memory_space<vmem_shared>>
      tpu.enqueue_dma source(%dma_start3A_78 : memref<640x8xf32, #tpu.memory_space<vmem_shared>>) target(%arg14 : memref<640x8xf32, #tpu.memory_space<vmem>>) target_semaphore(%run_scoped3A : memref<!tpu.dma_semaphore, #tpu.memory_space<semaphore_mem>>)
      %dma_wait3A = arith.constant 0 : i32
      %dma_wait3A_79 = tpu.memref_slice %arg19[%mul3A_0, %dma_wait3A] : memref<10240x8xf32, #tpu.memory_space<vmem_shared>> -> memref<640x8xf32, #tpu.memory_space<vmem_shared>>
      %dma_wait3A_80 = arith.constant 0 : i32
      %dma_wait3A_81 = tpu.memref_slice %arg19[%mul3A_0, %dma_wait3A_80] : memref<10240x8xf32, #tpu.memory_space<vmem_shared>> -> memref<640x8xf32, #tpu.memory_space<vmem_shared>>
      tpu.wait_dma2 semaphore(%run_scoped3A : memref<!tpu.dma_semaphore, #tpu.memory_space<semaphore_mem>>) src(%dma_wait3A_81 : memref<640x8xf32, #tpu.memory_space<vmem_shared>>) dst(%arg14 : memref<640x8xf32, #tpu.memory_space<vmem>>)
      tpu.yield
    }) : () -> ()
    "tpu.region"() ({
      %run_scoped3A = tpu.sem_alloc : memref<!tpu.dma_semaphore, #tpu.memory_space<semaphore_mem>>
      %dma_start3A = arith.constant 0 : i32
      %dma_start3A_76 = tpu.memref_slice %arg19[%mul3A_0, %dma_start3A] : memref<10240x8xf32, #tpu.memory_space<vmem_shared>> -> memref<640x8xf32, #tpu.memory_space<vmem_shared>>
      %dma_start3A_77 = arith.constant 0 : i32
      %dma_start3A_78 = tpu.memref_slice %arg19[%mul3A_0, %dma_start3A_77] : memref<10240x8xf32, #tpu.memory_space<vmem_shared>> -> memref<640x8xf32, #tpu.memory_space<vmem_shared>>
      tpu.enqueue_dma source(%arg15 : memref<640x8xf32, #tpu.memory_space<vmem>>) target(%dma_start3A_78 : memref<640x8xf32, #tpu.memory_space<vmem_shared>>) target_semaphore(%run_scoped3A : memref<!tpu.dma_semaphore, #tpu.memory_space<semaphore_mem>>)
      %dma_wait3A = arith.constant 0 : i32
      %dma_wait3A_79 = tpu.memref_slice %arg19[%mul3A_0, %dma_wait3A] : memref<10240x8xf32, #tpu.memory_space<vmem_shared>> -> memref<640x8xf32, #tpu.memory_space<vmem_shared>>
      %dma_wait3A_80 = arith.constant 0 : i32
      %dma_wait3A_81 = tpu.memref_slice %arg19[%mul3A_0, %dma_wait3A_80] : memref<10240x8xf32, #tpu.memory_space<vmem_shared>> -> memref<640x8xf32, #tpu.memory_space<vmem_shared>>
      tpu.wait_dma2 semaphore(%run_scoped3A : memref<!tpu.dma_semaphore, #tpu.memory_space<semaphore_mem>>) src(%arg15 : memref<640x8xf32, #tpu.memory_space<vmem>>) dst(%dma_wait3A_81 : memref<640x8xf32, #tpu.memory_space<vmem_shared>>)
      tpu.yield
    }) : () -> ()
    %get3A = arith.constant 0 : index
    %get3A_43 = tpu.vector_load %arg18[%get3A] {strides = array<i32>} : memref<16xf32, #tpu.memory_space<vmem>>, vector<16xf32>,
    %scan3A_44 = arith.constant 0 : i32
    %scan3A_45 = arith.constant 0 : i32
    %scan3A_46 = arith.constant 320 : i32
    %scan3A_47 = arith.addi %scan3A_45, %scan3A_46 : i32
    %scan3A_48 = arith.constant 4 : i32
    scf.for %scan3A_76 = %scan3A_45 to %scan3A_47 step %scan3A_48  : i32 {
      %mul3A_77 = arith.constant 2 : i32
      %mul3A_78 = arith.muli %mul3A_77, %scan3A_76 : i32
      %add3A = vector.broadcast %mul3A_78 : i32 to vector<16xi32>
      %add3A_79 = arith.addi %shift_right_arithmetic3A_4, %add3A : vector<16xi32>
      %gather3A = tpu.vector_load_idx %arg14[%add3A_79, %and3A_2] : memref<640x8xf32, #tpu.memory_space<vmem>>[vector<16xi32>, vector<16xi32>], vector<16xf32>,
      %gather3A_80 = tpu.vector_load_idx %arg12[%add3A_79, %and3A_2] : memref<640x8xf32, #tpu.memory_space<vmem>>[vector<16xi32>, vector<16xi32>], vector<16xf32>,
      %gather3A_81 = tpu.vector_load_idx %arg13[%add3A_79, %and3A_2] : memref<640x8xf32, #tpu.memory_space<vmem>>[vector<16xi32>, vector<16xi32>], vector<16xf32>,
      %add3A_82 = arith.addf %gather3A, %gather3A_80 : vector<16xf32>
      %mul3A_83 = arith.mulf %gather3A_81, %add3A_82 : vector<16xf32>
      %add3A_84 = arith.addf %mul3A_83, %get3A_43 : vector<16xf32>
      %max3A = arith.constant 0.000000e+00 : f32
      %max3A_85 = vector.broadcast %max3A : f32 to vector<16xf32>
      %max3A_86 = arith.maximumf %add3A_84, %max3A_85 : vector<16xf32>
      %mul3A_87 = arith.mulf %gather3A_81, %max3A_86 : vector<16xf32>
      tpu.vector_store_idx %arg12[%add3A_79, %and3A_2], %mul3A_87 : memref<640x8xf32, #tpu.memory_space<vmem>>[vector<16xi32>, vector<16xi32>], vector<16xf32>,
      %scan3A_88 = arith.constant 1 : i32
      %scan3A_89 = arith.addi %scan3A_76, %scan3A_88 : i32
      %mul3A_90 = arith.constant 2 : i32
      %mul3A_91 = arith.muli %mul3A_90, %scan3A_89 : i32
      %add3A_92 = vector.broadcast %mul3A_91 : i32 to vector<16xi32>
      %add3A_93 = arith.addi %shift_right_arithmetic3A_4, %add3A_92 : vector<16xi32>
      %gather3A_94 = tpu.vector_load_idx %arg14[%add3A_93, %and3A_2] : memref<640x8xf32, #tpu.memory_space<vmem>>[vector<16xi32>, vector<16xi32>], vector<16xf32>,
      %gather3A_95 = tpu.vector_load_idx %arg12[%add3A_93, %and3A_2] : memref<640x8xf32, #tpu.memory_space<vmem>>[vector<16xi32>, vector<16xi32>], vector<16xf32>,
      %gather3A_96 = tpu.vector_load_idx %arg13[%add3A_93, %and3A_2] : memref<640x8xf32, #tpu.memory_space<vmem>>[vector<16xi32>, vector<16xi32>], vector<16xf32>,
      %add3A_97 = arith.addf %gather3A_94, %gather3A_95 : vector<16xf32>
      %mul3A_98 = arith.mulf %gather3A_96, %add3A_97 : vector<16xf32>
      %add3A_99 = arith.addf %mul3A_98, %get3A_43 : vector<16xf32>
      %max3A_100 = arith.constant 0.000000e+00 : f32
      %max3A_101 = vector.broadcast %max3A_100 : f32 to vector<16xf32>
      %max3A_102 = arith.maximumf %add3A_99, %max3A_101 : vector<16xf32>
      %mul3A_103 = arith.mulf %gather3A_96, %max3A_102 : vector<16xf32>
      tpu.vector_store_idx %arg12[%add3A_93, %and3A_2], %mul3A_103 : memref<640x8xf32, #tpu.memory_space<vmem>>[vector<16xi32>, vector<16xi32>], vector<16xf32>,
      %scan3A_104 = arith.constant 2 : i32
      %scan3A_105 = arith.addi %scan3A_76, %scan3A_104 : i32
      %mul3A_106 = arith.constant 2 : i32
      %mul3A_107 = arith.muli %mul3A_106, %scan3A_105 : i32
      %add3A_108 = vector.broadcast %mul3A_107 : i32 to vector<16xi32>
      %add3A_109 = arith.addi %shift_right_arithmetic3A_4, %add3A_108 : vector<16xi32>
      %gather3A_110 = tpu.vector_load_idx %arg14[%add3A_109, %and3A_2] : memref<640x8xf32, #tpu.memory_space<vmem>>[vector<16xi32>, vector<16xi32>], vector<16xf32>,
      %gather3A_111 = tpu.vector_load_idx %arg12[%add3A_109, %and3A_2] : memref<640x8xf32, #tpu.memory_space<vmem>>[vector<16xi32>, vector<16xi32>], vector<16xf32>,
      %gather3A_112 = tpu.vector_load_idx %arg13[%add3A_109, %and3A_2] : memref<640x8xf32, #tpu.memory_space<vmem>>[vector<16xi32>, vector<16xi32>], vector<16xf32>,
      %add3A_113 = arith.addf %gather3A_110, %gather3A_111 : vector<16xf32>
      %mul3A_114 = arith.mulf %gather3A_112, %add3A_113 : vector<16xf32>
      %add3A_115 = arith.addf %mul3A_114, %get3A_43 : vector<16xf32>
      %max3A_116 = arith.constant 0.000000e+00 : f32
      %max3A_117 = vector.broadcast %max3A_116 : f32 to vector<16xf32>
      %max3A_118 = arith.maximumf %add3A_115, %max3A_117 : vector<16xf32>
      %mul3A_119 = arith.mulf %gather3A_112, %max3A_118 : vector<16xf32>
      tpu.vector_store_idx %arg12[%add3A_109, %and3A_2], %mul3A_119 : memref<640x8xf32, #tpu.memory_space<vmem>>[vector<16xi32>, vector<16xi32>], vector<16xf32>,
      %scan3A_120 = arith.constant 3 : i32
      %scan3A_121 = arith.addi %scan3A_76, %scan3A_120 : i32
      %mul3A_122 = arith.constant 2 : i32
      %mul3A_123 = arith.muli %mul3A_122, %scan3A_121 : i32
      %add3A_124 = vector.broadcast %mul3A_123 : i32 to vector<16xi32>
      %add3A_125 = arith.addi %shift_right_arithmetic3A_4, %add3A_124 : vector<16xi32>
      %gather3A_126 = tpu.vector_load_idx %arg14[%add3A_125, %and3A_2] : memref<640x8xf32, #tpu.memory_space<vmem>>[vector<16xi32>, vector<16xi32>], vector<16xf32>,
      %gather3A_127 = tpu.vector_load_idx %arg12[%add3A_125, %and3A_2] : memref<640x8xf32, #tpu.memory_space<vmem>>[vector<16xi32>, vector<16xi32>], vector<16xf32>,
      %gather3A_128 = tpu.vector_load_idx %arg13[%add3A_125, %and3A_2] : memref<640x8xf32, #tpu.memory_space<vmem>>[vector<16xi32>, vector<16xi32>], vector<16xf32>,
      %add3A_129 = arith.addf %gather3A_126, %gather3A_127 : vector<16xf32>
      %mul3A_130 = arith.mulf %gather3A_128, %add3A_129 : vector<16xf32>
      %add3A_131 = arith.addf %mul3A_130, %get3A_43 : vector<16xf32>
      %max3A_132 = arith.constant 0.000000e+00 : f32
      %max3A_133 = vector.broadcast %max3A_132 : f32 to vector<16xf32>
      %max3A_134 = arith.maximumf %add3A_131, %max3A_133 : vector<16xf32>
      %mul3A_135 = arith.mulf %gather3A_128, %max3A_134 : vector<16xf32>
      tpu.vector_store_idx %arg12[%add3A_125, %and3A_2], %mul3A_135 : memref<640x8xf32, #tpu.memory_space<vmem>>[vector<16xi32>, vector<16xi32>], vector<16xf32>,
    }
    %scan3A_49 = arith.constant 320 : i32
    "tpu.region"() ({
      %run_scoped3A = tpu.sem_alloc : memref<!tpu.dma_semaphore, #tpu.memory_space<semaphore_mem>>
      %dma_start3A = arith.constant 0 : i32
      %dma_start3A_76 = tpu.memref_slice %arg20[%mul3A_0, %dma_start3A] : memref<10240x8xf32, #tpu.memory_space<vmem_shared>> -> memref<640x8xf32, #tpu.memory_space<vmem_shared>>
      %dma_start3A_77 = arith.constant 0 : i32
      %dma_start3A_78 = tpu.memref_slice %arg20[%mul3A_0, %dma_start3A_77] : memref<10240x8xf32, #tpu.memory_space<vmem_shared>> -> memref<640x8xf32, #tpu.memory_space<vmem_shared>>
      tpu.enqueue_dma source(%arg12 : memref<640x8xf32, #tpu.memory_space<vmem>>) target(%dma_start3A_78 : memref<640x8xf32, #tpu.memory_space<vmem_shared>>) target_semaphore(%run_scoped3A : memref<!tpu.dma_semaphore, #tpu.memory_space<semaphore_mem>>)
      %dma_wait3A = arith.constant 0 : i32
      %dma_wait3A_79 = tpu.memref_slice %arg20[%mul3A_0, %dma_wait3A] : memref<10240x8xf32, #tpu.memory_space<vmem_shared>> -> memref<640x8xf32, #tpu.memory_space<vmem_shared>>
      %dma_wait3A_80 = arith.constant 0 : i32
      %dma_wait3A_81 = tpu.memref_slice %arg20[%mul3A_0, %dma_wait3A_80] : memref<10240x8xf32, #tpu.memory_space<vmem_shared>> -> memref<640x8xf32, #tpu.memory_space<vmem_shared>>
      tpu.wait_dma2 semaphore(%run_scoped3A : memref<!tpu.dma_semaphore, #tpu.memory_space<semaphore_mem>>) src(%arg12 : memref<640x8xf32, #tpu.memory_space<vmem>>) dst(%dma_wait3A_81 : memref<640x8xf32, #tpu.memory_space<vmem_shared>>)
      tpu.yield
    }) : () -> ()
    %barrier3A_50 = arith.constant 0 : index
    tpu.barrier barrier_id(%barrier3A_50)
    %scan3A_51 = arith.constant 0 : i32
    %scan3A_52 = arith.constant 0 : i32
    %scan3A_53 = arith.constant 8 : i32
    %scan3A_54 = arith.addi %scan3A_52, %scan3A_53 : i32
    %scan3A_55 = arith.constant 1 : i32
    scf.for %scan3A_76 = %scan3A_52 to %scan3A_54 step %scan3A_55  : i32 {
      %dma_start3A = arith.constant 0 : i32
      %dma_start3A_77 = arith.constant 0 : i32
      %dma_start3A_78 = tpu.memref_slice %arg11[%scan3A_76, %dma_start3A, %dma_start3A_77] : memref<16x128x8xf32, #tpu.memory_space<vmem>> -> memref<1x128x8xf32, #tpu.memory_space<vmem>>
      %dma_start3A_79 = tpu.memref_squeeze %dma_start3A_78 : memref<1x128x8xf32, #tpu.memory_space<vmem>> -> memref<128x8xf32, #tpu.memory_space<vmem>>
      %dma_start3A_80 = arith.constant 0 : i32
      %dma_start3A_81 = tpu.memref_slice %arg9[%scan3A_76, %dma_start3A_80] : memref<80x128xi32, #tpu.memory_space<vmem>> -> memref<1x128xi32, #tpu.memory_space<vmem>>
      %dma_start3A_82 = tpu.memref_squeeze %dma_start3A_81 : memref<1x128xi32, #tpu.memory_space<vmem>> -> memref<128xi32, #tpu.memory_space<vmem>>
      %dma_start3A_83 = arith.constant 0 : i32
      %dma_start3A_84 = arith.constant 0 : i32
      %dma_start3A_85 = tpu.memref_slice %arg20[%dma_start3A_83, %dma_start3A_84] : memref<10240x8xf32, #tpu.memory_space<vmem_shared>> -> memref<10240x8xf32, #tpu.memory_space<vmem_shared>>
      tpu.enqueue_indirect_dma source(%dma_start3A_85 : memref<10240x8xf32, #tpu.memory_space<vmem_shared>>) target(%dma_start3A_79 : memref<128x8xf32, #tpu.memory_space<vmem>>) offsets(%dma_start3A_82 : memref<128xi32, #tpu.memory_space<vmem>>) semaphore(%arg21 : memref<!tpu.dma_semaphore, #tpu.memory_space<semaphore_mem>>)
    }
    %scan3A_56 = arith.constant 8 : i32
    %scan3A_57 = arith.constant 0 : i32
    %scan3A_58 = arith.constant 0 : i32
    %scan3A_59 = arith.constant 80 : i32
    %scan3A_60 = arith.addi %scan3A_58, %scan3A_59 : i32
    %scan3A_61 = arith.constant 1 : i32
    scf.for %scan3A_76 = %scan3A_58 to %scan3A_60 step %scan3A_61  : i32 {
      %dma_wait3A = arith.constant 0 : i32
      %dma_wait3A_77 = arith.constant 0 : i32
      %dma_wait3A_78 = arith.constant 0 : i32
      %dma_wait3A_79 = tpu.memref_slice %arg11[%dma_wait3A, %dma_wait3A_77, %dma_wait3A_78] : memref<16x128x8xf32, #tpu.memory_space<vmem>> -> memref<1x128x8xf32, #tpu.memory_space<vmem>>
      %dma_wait3A_80 = tpu.memref_squeeze %dma_wait3A_79 : memref<1x128x8xf32, #tpu.memory_space<vmem>> -> memref<128x8xf32, #tpu.memory_space<vmem>>
      %dma_wait3A_81 = arith.constant 0 : i32
      %dma_wait3A_82 = arith.constant 0 : i32
      %dma_wait3A_83 = tpu.memref_slice %arg20[%dma_wait3A_81, %dma_wait3A_82] : memref<10240x8xf32, #tpu.memory_space<vmem_shared>> -> memref<128x8xf32, #tpu.memory_space<vmem_shared>>
      %dma_wait3A_84 = arith.constant 0 : i32
      %dma_wait3A_85 = arith.constant 0 : i32
      %dma_wait3A_86 = tpu.memref_slice %arg11[%dma_wait3A, %dma_wait3A_84, %dma_wait3A_85] : memref<16x128x8xf32, #tpu.memory_space<vmem>> -> memref<1x128x8xf32, #tpu.memory_space<vmem>>
      %dma_wait3A_87 = tpu.memref_squeeze %dma_wait3A_86 : memref<1x128x8xf32, #tpu.memory_space<vmem>> -> memref<128x8xf32, #tpu.memory_space<vmem>>
      %dma_wait3A_88 = arith.constant 0 : i32
      %dma_wait3A_89 = arith.constant 0 : i32
      %dma_wait3A_90 = tpu.memref_slice %arg20[%dma_wait3A_88, %dma_wait3A_89] : memref<10240x8xf32, #tpu.memory_space<vmem_shared>> -> memref<128x8xf32, #tpu.memory_space<vmem_shared>>
      tpu.wait_dma2 semaphore(%arg21 : memref<!tpu.dma_semaphore, #tpu.memory_space<semaphore_mem>>) src(%dma_wait3A_90 : memref<128x8xf32, #tpu.memory_space<vmem_shared>>) dst(%dma_wait3A_87 : memref<128x8xf32, #tpu.memory_space<vmem>>)
      %and3A_91 = arith.constant 15 : i32
      %and3A_92 = arith.andi %scan3A_76, %and3A_91 : i32
      %dma_start3A = arith.constant 0 : i32
      %dma_start3A_93 = arith.constant 0 : i32
      %dma_start3A_94 = tpu.memref_slice %arg11[%and3A_92, %dma_start3A, %dma_start3A_93] : memref<16x128x8xf32, #tpu.memory_space<vmem>> -> memref<1x128x8xf32, #tpu.memory_space<vmem>>
      %dma_start3A_95 = tpu.memref_squeeze %dma_start3A_94 : memref<1x128x8xf32, #tpu.memory_space<vmem>> -> memref<128x8xf32, #tpu.memory_space<vmem>>
      %dma_start3A_96 = arith.constant 0 : i32
      %dma_start3A_97 = tpu.memref_slice %arg10[%scan3A_76, %dma_start3A_96] : memref<80x128xi32, #tpu.memory_space<vmem>> -> memref<1x128xi32, #tpu.memory_space<vmem>>
      %dma_start3A_98 = tpu.memref_squeeze %dma_start3A_97 : memref<1x128xi32, #tpu.memory_space<vmem>> -> memref<128xi32, #tpu.memory_space<vmem>>
      %dma_start3A_99 = arith.constant 0 : i32
      %dma_start3A_100 = arith.constant 0 : i32
      %dma_start3A_101 = tpu.memref_slice %arg19[%dma_start3A_99, %dma_start3A_100] : memref<10240x8xf32, #tpu.memory_space<vmem_shared>> -> memref<10240x8xf32, #tpu.memory_space<vmem_shared>>
      tpu.enqueue_indirect_dma source(%dma_start3A_95 : memref<128x8xf32, #tpu.memory_space<vmem>>) target(%dma_start3A_101 : memref<10240x8xf32, #tpu.memory_space<vmem_shared>>) offsets(%dma_start3A_98 : memref<128xi32, #tpu.memory_space<vmem>>) semaphore(%arg22 : memref<!tpu.dma_semaphore, #tpu.memory_space<semaphore_mem>>) {add = true}
      %ge3A = arith.constant 8 : i32
      %ge3A_102 = arith.cmpi sge, %scan3A_76, %ge3A : i32
      %convert_element_type3A = arith.extui %ge3A_102 : i1 to i32
      %cond3A = arith.constant 0 : i32
      %cond3A_103 = arith.cmpi ne, %convert_element_type3A, %cond3A : i32
      scf.if %cond3A_103 {
        %dma_wait3A_109 = arith.constant 0 : i32
        %dma_wait3A_110 = arith.constant 0 : i32
        %dma_wait3A_111 = tpu.memref_slice %arg6[%dma_wait3A_109, %dma_wait3A_110] : memref<640x8xf32, #tpu.memory_space<hbm>> -> memref<128x8xf32, #tpu.memory_space<hbm>>
        %dma_wait3A_112 = arith.constant 0 : i32
        %dma_wait3A_113 = arith.constant 0 : i32
        %dma_wait3A_114 = tpu.memref_slice %arg6[%dma_wait3A_112, %dma_wait3A_113] : memref<640x8xf32, #tpu.memory_space<hbm>> -> memref<128x8xf32, #tpu.memory_space<hbm>>
        tpu.wait_dma2 semaphore(%arg22 : memref<!tpu.dma_semaphore, #tpu.memory_space<semaphore_mem>>) src(%dma_wait3A_114 : memref<128x8xf32, #tpu.memory_space<hbm>>) dst(%arg17 : memref<128x8xf32, #tpu.memory_space<vmem>>)
      } else {
      }
      %add3A = arith.constant 8 : i32
      %add3A_104 = arith.addi %scan3A_76, %add3A : i32
      %lt3A = arith.constant 80 : i32
      %lt3A_105 = arith.cmpi slt, %add3A_104, %lt3A : i32
      %convert_element_type3A_106 = arith.extui %lt3A_105 : i1 to i32
      %cond3A_107 = arith.constant 0 : i32
      %cond3A_108 = arith.cmpi ne, %convert_element_type3A_106, %cond3A_107 : i32
      scf.if %cond3A_108 {
        %add3A_109 = arith.constant 8 : i32
        %add3A_110 = arith.addi %scan3A_76, %add3A_109 : i32
        %add3A_111 = arith.constant 8 : i32
        %add3A_112 = arith.addi %scan3A_76, %add3A_111 : i32
        %and3A_113 = arith.constant 15 : i32
        %and3A_114 = arith.andi %add3A_112, %and3A_113 : i32
        %dma_start3A_115 = arith.constant 0 : i32
        %dma_start3A_116 = arith.constant 0 : i32
        %dma_start3A_117 = tpu.memref_slice %arg11[%and3A_114, %dma_start3A_115, %dma_start3A_116] : memref<16x128x8xf32, #tpu.memory_space<vmem>> -> memref<1x128x8xf32, #tpu.memory_space<vmem>>
        %dma_start3A_118 = tpu.memref_squeeze %dma_start3A_117 : memref<1x128x8xf32, #tpu.memory_space<vmem>> -> memref<128x8xf32, #tpu.memory_space<vmem>>
        %dma_start3A_119 = arith.constant 0 : i32
        %dma_start3A_120 = tpu.memref_slice %arg9[%add3A_110, %dma_start3A_119] : memref<80x128xi32, #tpu.memory_space<vmem>> -> memref<1x128xi32, #tpu.memory_space<vmem>>
        %dma_start3A_121 = tpu.memref_squeeze %dma_start3A_120 : memref<1x128xi32, #tpu.memory_space<vmem>> -> memref<128xi32, #tpu.memory_space<vmem>>
        %dma_start3A_122 = arith.constant 0 : i32
        %dma_start3A_123 = arith.constant 0 : i32
        %dma_start3A_124 = tpu.memref_slice %arg20[%dma_start3A_122, %dma_start3A_123] : memref<10240x8xf32, #tpu.memory_space<vmem_shared>> -> memref<10240x8xf32, #tpu.memory_space<vmem_shared>>
        tpu.enqueue_indirect_dma source(%dma_start3A_124 : memref<10240x8xf32, #tpu.memory_space<vmem_shared>>) target(%dma_start3A_118 : memref<128x8xf32, #tpu.memory_space<vmem>>) offsets(%dma_start3A_121 : memref<128xi32, #tpu.memory_space<vmem>>) semaphore(%arg21 : memref<!tpu.dma_semaphore, #tpu.memory_space<semaphore_mem>>)
      } else {
      }
    }
    %scan3A_62 = arith.constant 80 : i32
    %scan3A_63 = arith.constant 0 : i32
    %scan3A_64 = arith.constant 0 : i32
    %scan3A_65 = arith.constant 8 : i32
    %scan3A_66 = arith.addi %scan3A_64, %scan3A_65 : i32
    %scan3A_67 = arith.constant 1 : i32
    scf.for %scan3A_76 = %scan3A_64 to %scan3A_66 step %scan3A_67  : i32 {
      %dma_wait3A = arith.constant 0 : i32
      %dma_wait3A_77 = arith.constant 0 : i32
      %dma_wait3A_78 = tpu.memref_slice %arg6[%dma_wait3A, %dma_wait3A_77] : memref<640x8xf32, #tpu.memory_space<hbm>> -> memref<128x8xf32, #tpu.memory_space<hbm>>
      %dma_wait3A_79 = arith.constant 0 : i32
      %dma_wait3A_80 = arith.constant 0 : i32
      %dma_wait3A_81 = tpu.memref_slice %arg6[%dma_wait3A_79, %dma_wait3A_80] : memref<640x8xf32, #tpu.memory_space<hbm>> -> memref<128x8xf32, #tpu.memory_space<hbm>>
      tpu.wait_dma2 semaphore(%arg22 : memref<!tpu.dma_semaphore, #tpu.memory_space<semaphore_mem>>) src(%dma_wait3A_81 : memref<128x8xf32, #tpu.memory_space<hbm>>) dst(%arg17 : memref<128x8xf32, #tpu.memory_space<vmem>>)
    }
    %scan3A_68 = arith.constant 8 : i32
    %barrier3A_69 = arith.constant 0 : index
    tpu.barrier barrier_id(%barrier3A_69)
    "tpu.region"() ({
      %run_scoped3A = tpu.sem_alloc : memref<!tpu.dma_semaphore, #tpu.memory_space<semaphore_mem>>
      %dma_start3A = arith.constant 0 : i32
      %dma_start3A_76 = tpu.memref_slice %arg19[%mul3A_0, %dma_start3A] : memref<10240x8xf32, #tpu.memory_space<vmem_shared>> -> memref<640x8xf32, #tpu.memory_space<vmem_shared>>
      %dma_start3A_77 = arith.constant 0 : i32
      %dma_start3A_78 = tpu.memref_slice %arg19[%mul3A_0, %dma_start3A_77] : memref<10240x8xf32, #tpu.memory_space<vmem_shared>> -> memref<640x8xf32, #tpu.memory_space<vmem_shared>>
      tpu.enqueue_dma source(%dma_start3A_78 : memref<640x8xf32, #tpu.memory_space<vmem_shared>>) target(%arg14 : memref<640x8xf32, #tpu.memory_space<vmem>>) target_semaphore(%run_scoped3A : memref<!tpu.dma_semaphore, #tpu.memory_space<semaphore_mem>>)
      %dma_wait3A = arith.constant 0 : i32
      %dma_wait3A_79 = tpu.memref_slice %arg19[%mul3A_0, %dma_wait3A] : memref<10240x8xf32, #tpu.memory_space<vmem_shared>> -> memref<640x8xf32, #tpu.memory_space<vmem_shared>>
      %dma_wait3A_80 = arith.constant 0 : i32
      %dma_wait3A_81 = tpu.memref_slice %arg19[%mul3A_0, %dma_wait3A_80] : memref<10240x8xf32, #tpu.memory_space<vmem_shared>> -> memref<640x8xf32, #tpu.memory_space<vmem_shared>>
      tpu.wait_dma2 semaphore(%run_scoped3A : memref<!tpu.dma_semaphore, #tpu.memory_space<semaphore_mem>>) src(%dma_wait3A_81 : memref<640x8xf32, #tpu.memory_space<vmem_shared>>) dst(%arg14 : memref<640x8xf32, #tpu.memory_space<vmem>>)
      tpu.yield
    }) : () -> ()
    %scan3A_70 = arith.constant 0 : i32
    %scan3A_71 = arith.constant 0 : i32
    %scan3A_72 = arith.constant 320 : i32
    %scan3A_73 = arith.addi %scan3A_71, %scan3A_72 : i32
    %scan3A_74 = arith.constant 4 : i32
    scf.for %scan3A_76 = %scan3A_71 to %scan3A_73 step %scan3A_74  : i32 {
      %mul3A_77 = arith.constant 2 : i32
      %mul3A_78 = arith.muli %mul3A_77, %scan3A_76 : i32
      %add3A = vector.broadcast %mul3A_78 : i32 to vector<16xi32>
      %add3A_79 = arith.addi %shift_right_arithmetic3A_4, %add3A : vector<16xi32>
      %gather3A = tpu.vector_load_idx %arg14[%add3A_79, %and3A_2] : memref<640x8xf32, #tpu.memory_space<vmem>>[vector<16xi32>, vector<16xi32>], vector<16xf32>,
      %gather3A_80 = tpu.vector_load_idx %arg12[%add3A_79, %and3A_2] : memref<640x8xf32, #tpu.memory_space<vmem>>[vector<16xi32>, vector<16xi32>], vector<16xf32>,
      %gather3A_81 = tpu.vector_load_idx %arg13[%add3A_79, %and3A_2] : memref<640x8xf32, #tpu.memory_space<vmem>>[vector<16xi32>, vector<16xi32>], vector<16xf32>,
      %add3A_82 = arith.addf %gather3A, %gather3A_80 : vector<16xf32>
      %mul3A_83 = arith.mulf %gather3A_81, %add3A_82 : vector<16xf32>
      tpu.vector_store_idx %arg14[%add3A_79, %and3A_2], %mul3A_83 : memref<640x8xf32, #tpu.memory_space<vmem>>[vector<16xi32>, vector<16xi32>], vector<16xf32>,
      %scan3A_84 = arith.constant 1 : i32
      %scan3A_85 = arith.addi %scan3A_76, %scan3A_84 : i32
      %mul3A_86 = arith.constant 2 : i32
      %mul3A_87 = arith.muli %mul3A_86, %scan3A_85 : i32
      %add3A_88 = vector.broadcast %mul3A_87 : i32 to vector<16xi32>
      %add3A_89 = arith.addi %shift_right_arithmetic3A_4, %add3A_88 : vector<16xi32>
      %gather3A_90 = tpu.vector_load_idx %arg14[%add3A_89, %and3A_2] : memref<640x8xf32, #tpu.memory_space<vmem>>[vector<16xi32>, vector<16xi32>], vector<16xf32>,
      %gather3A_91 = tpu.vector_load_idx %arg12[%add3A_89, %and3A_2] : memref<640x8xf32, #tpu.memory_space<vmem>>[vector<16xi32>, vector<16xi32>], vector<16xf32>,
      %gather3A_92 = tpu.vector_load_idx %arg13[%add3A_89, %and3A_2] : memref<640x8xf32, #tpu.memory_space<vmem>>[vector<16xi32>, vector<16xi32>], vector<16xf32>,
      %add3A_93 = arith.addf %gather3A_90, %gather3A_91 : vector<16xf32>
      %mul3A_94 = arith.mulf %gather3A_92, %add3A_93 : vector<16xf32>
      tpu.vector_store_idx %arg14[%add3A_89, %and3A_2], %mul3A_94 : memref<640x8xf32, #tpu.memory_space<vmem>>[vector<16xi32>, vector<16xi32>], vector<16xf32>,
      %scan3A_95 = arith.constant 2 : i32
      %scan3A_96 = arith.addi %scan3A_76, %scan3A_95 : i32
      %mul3A_97 = arith.constant 2 : i32
      %mul3A_98 = arith.muli %mul3A_97, %scan3A_96 : i32
      %add3A_99 = vector.broadcast %mul3A_98 : i32 to vector<16xi32>
      %add3A_100 = arith.addi %shift_right_arithmetic3A_4, %add3A_99 : vector<16xi32>
      %gather3A_101 = tpu.vector_load_idx %arg14[%add3A_100, %and3A_2] : memref<640x8xf32, #tpu.memory_space<vmem>>[vector<16xi32>, vector<16xi32>], vector<16xf32>,
      %gather3A_102 = tpu.vector_load_idx %arg12[%add3A_100, %and3A_2] : memref<640x8xf32, #tpu.memory_space<vmem>>[vector<16xi32>, vector<16xi32>], vector<16xf32>,
      %gather3A_103 = tpu.vector_load_idx %arg13[%add3A_100, %and3A_2] : memref<640x8xf32, #tpu.memory_space<vmem>>[vector<16xi32>, vector<16xi32>], vector<16xf32>,
      %add3A_104 = arith.addf %gather3A_101, %gather3A_102 : vector<16xf32>
      %mul3A_105 = arith.mulf %gather3A_103, %add3A_104 : vector<16xf32>
      tpu.vector_store_idx %arg14[%add3A_100, %and3A_2], %mul3A_105 : memref<640x8xf32, #tpu.memory_space<vmem>>[vector<16xi32>, vector<16xi32>], vector<16xf32>,
      %scan3A_106 = arith.constant 3 : i32
      %scan3A_107 = arith.addi %scan3A_76, %scan3A_106 : i32
      %mul3A_108 = arith.constant 2 : i32
      %mul3A_109 = arith.muli %mul3A_108, %scan3A_107 : i32
      %add3A_110 = vector.broadcast %mul3A_109 : i32 to vector<16xi32>
      %add3A_111 = arith.addi %shift_right_arithmetic3A_4, %add3A_110 : vector<16xi32>
      %gather3A_112 = tpu.vector_load_idx %arg14[%add3A_111, %and3A_2] : memref<640x8xf32, #tpu.memory_space<vmem>>[vector<16xi32>, vector<16xi32>], vector<16xf32>,
      %gather3A_113 = tpu.vector_load_idx %arg12[%add3A_111, %and3A_2] : memref<640x8xf32, #tpu.memory_space<vmem>>[vector<16xi32>, vector<16xi32>], vector<16xf32>,
      %gather3A_114 = tpu.vector_load_idx %arg13[%add3A_111, %and3A_2] : memref<640x8xf32, #tpu.memory_space<vmem>>[vector<16xi32>, vector<16xi32>], vector<16xf32>,
      %add3A_115 = arith.addf %gather3A_112, %gather3A_113 : vector<16xf32>
      %mul3A_116 = arith.mulf %gather3A_114, %add3A_115 : vector<16xf32>
      tpu.vector_store_idx %arg14[%add3A_111, %and3A_2], %mul3A_116 : memref<640x8xf32, #tpu.memory_space<vmem>>[vector<16xi32>, vector<16xi32>], vector<16xf32>,
    }
    %scan3A_75 = arith.constant 320 : i32
    "tpu.region"() ({
      %run_scoped3A = tpu.sem_alloc : memref<!tpu.dma_semaphore, #tpu.memory_space<semaphore_mem>>
      %dma_start3A = arith.constant 0 : i32
      %dma_start3A_76 = tpu.memref_slice %arg8[%mul3A_0, %dma_start3A] : memref<10240x8xf32, #tpu.memory_space<hbm>> -> memref<640x8xf32, #tpu.memory_space<hbm>>
      %dma_start3A_77 = arith.constant 0 : i32
      %dma_start3A_78 = tpu.memref_slice %arg8[%mul3A_0, %dma_start3A_77] : memref<10240x8xf32, #tpu.memory_space<hbm>> -> memref<640x8xf32, #tpu.memory_space<hbm>>
      tpu.enqueue_dma source(%arg14 : memref<640x8xf32, #tpu.memory_space<vmem>>) target(%dma_start3A_78 : memref<640x8xf32, #tpu.memory_space<hbm>>) target_semaphore(%run_scoped3A : memref<!tpu.dma_semaphore, #tpu.memory_space<semaphore_mem>>)
      %dma_wait3A = arith.constant 0 : i32
      %dma_wait3A_79 = tpu.memref_slice %arg8[%mul3A_0, %dma_wait3A] : memref<10240x8xf32, #tpu.memory_space<hbm>> -> memref<640x8xf32, #tpu.memory_space<hbm>>
      %dma_wait3A_80 = arith.constant 0 : i32
      %dma_wait3A_81 = tpu.memref_slice %arg8[%mul3A_0, %dma_wait3A_80] : memref<10240x8xf32, #tpu.memory_space<hbm>> -> memref<640x8xf32, #tpu.memory_space<hbm>>
      tpu.wait_dma2 semaphore(%run_scoped3A : memref<!tpu.dma_semaphore, #tpu.memory_space<semaphore_mem>>) src(%arg14 : memref<640x8xf32, #tpu.memory_space<vmem>>) dst(%dma_wait3A_81 : memref<640x8xf32, #tpu.memory_space<hbm>>)
      tpu.yield
    }) : () -> ()
    return
  }
}

module attributes {stable_mosaic.version = 14 : i64} {
  func.func @_mm1_body(%arg0: i32, %arg1: memref<640x256xf32, #tpu.memory_space<vmem>>, %arg2: memref<256x8xf32, #tpu.memory_space<vmem>>, %arg3: memref<2x10240xi32, #tpu.memory_space<vmem>>, %arg4: memref<640x8xf32, #tpu.memory_space<vmem>>, %arg5: memref<1x1x10240xi32, #tpu.memory_space<vmem>>, %arg6: memref<1x1x10240xi32, #tpu.memory_space<vmem>>) attributes {dimension_semantics = [#tpu.dimension_semantics<arbitrary>], iteration_bounds = array<i64: 16>, scalar_prefetch = 0 : i64, scratch_operands = 0 : i64, tpu.core_type = #tpu.core_type<tc>, window_params = [{transform_indices = @transform_0, window_bounds = array<i64: 640, 256>}, {pipeline_mode = #tpu.pipeline_mode<synchronous>, transform_indices = @transform_1, window_bounds = array<i64: 256, 8>}, {transform_indices = @transform_2, window_bounds = array<i64: 2, 10240>}, {transform_indices = @transform_3, window_bounds = array<i64: 640, 8>}, {transform_indices = @transform_4, window_bounds = array<i64: 1, 1, 10240>}, {transform_indices = @transform_5, window_bounds = array<i64: 1, 1, 10240>}]} {
    %get3A = arith.constant 0 : index
    %get3A_0 = arith.constant 0 : index
    %get3A_1 = vector.load %arg1[%get3A, %get3A_0] : memref<640x256xf32, #tpu.memory_space<vmem>>, vector<640x256xf32>
    %get3A_2 = arith.constant 0 : index
    %get3A_3 = arith.constant 0 : index
    %get3A_4 = vector.load %arg2[%get3A_2, %get3A_3] : memref<256x8xf32, #tpu.memory_space<vmem>>, vector<256x8xf32>
    %dot_general3A = arith.constant dense<0.000000e+00> : vector<640x8xf32>
    %dot_general3A_5 = tpu.matmul %get3A_1, %get3A_4, %dot_general3A {dimension_numbers = #tpu.dot_dimension_numbers<[1], [0], [0], [1], [0, 0, 1, 1], [], []>, transpose_lhs_hint = false} : vector<640x256xf32>, vector<256x8xf32>, vector<640x8xf32> -> vector<640x8xf32>
    %swap3A = arith.constant 0 : index
    %swap3A_6 = arith.constant 0 : index
    %swap3A_7 = vector.load %arg4[%swap3A, %swap3A_6] : memref<640x8xf32, #tpu.memory_space<vmem>>, vector<640x8xf32>
    tpu.vector_store %arg4[%swap3A, %swap3A_6], %dot_general3A_5 {strides = array<i32>} : memref<640x8xf32, #tpu.memory_space<vmem>>, vector<640x8xf32>,
    %mul3A = arith.constant 10240 : i32
    %mul3A_8 = arith.muli %arg0, %mul3A : i32
    %iota3A = tpu.iota {dimensions = array<i32: 2>} : vector<1x1x10240xi32>
    %add3A = vector.broadcast %mul3A_8 : i32 to vector<1x1x10240xi32>
    %add3A_9 = arith.addi %add3A, %iota3A : vector<1x1x10240xi32>
    %and3A = arith.constant 7 : i32
    %and3A_10 = vector.broadcast %and3A : i32 to vector<1x1x10240xi32>
    %and3A_11 = arith.andi %add3A_9, %and3A_10 : vector<1x1x10240xi32>
    %add3A_12 = arith.constant 10232 : i32
    %add3A_13 = vector.broadcast %add3A_12 : i32 to vector<1x1x10240xi32>
    %add3A_14 = arith.addi %add3A_13, %and3A_11 : vector<1x1x10240xi32>
    %lt3A = arith.constant 160000 : i32
    %lt3A_15 = vector.broadcast %lt3A : i32 to vector<1x1x10240xi32>
    %lt3A_16 = arith.cmpi slt, %add3A_9, %lt3A_15 : vector<1x1x10240xi32>
    %get3A_17 = arith.constant 0 : index
    %get3A_18 = arith.constant 0 : index
    %get3A_19 = vector.load %arg3[%get3A_17, %get3A_18] : memref<2x10240xi32, #tpu.memory_space<vmem>>, vector<1x10240xi32>
    %broadcast_in_dim3A = vector.shape_cast %get3A_19 : vector<1x10240xi32> to vector<1x1x10240xi32>
    %select_n3A = arith.select %lt3A_16, %broadcast_in_dim3A, %add3A_14 : vector<1x1x10240xi1>, vector<1x1x10240xi32>
    %swap3A_20 = arith.constant 0 : index
    %swap3A_21 = arith.constant 0 : index
    %swap3A_22 = arith.constant 0 : index
    %swap3A_23 = vector.load %arg5[%swap3A_20, %swap3A_21, %swap3A_22] : memref<1x1x10240xi32, #tpu.memory_space<vmem>>, vector<1x1x10240xi32>
    tpu.vector_store %arg5[%swap3A_20, %swap3A_21, %swap3A_22], %select_n3A {strides = array<i32>} : memref<1x1x10240xi32, #tpu.memory_space<vmem>>, vector<1x1x10240xi32>,
    %get3A_24 = arith.constant 1 : index
    %get3A_25 = arith.constant 0 : index
    %get3A_26 = vector.load %arg3[%get3A_24, %get3A_25] : memref<2x10240xi32, #tpu.memory_space<vmem>>, vector<1x10240xi32>
    %broadcast_in_dim3A_27 = vector.shape_cast %get3A_26 : vector<1x10240xi32> to vector<1x1x10240xi32>
    %select_n3A_28 = arith.select %lt3A_16, %broadcast_in_dim3A_27, %add3A_14 : vector<1x1x10240xi1>, vector<1x1x10240xi32>
    %swap3A_29 = arith.constant 0 : index
    %swap3A_30 = arith.constant 0 : index
    %swap3A_31 = arith.constant 0 : index
    %swap3A_32 = vector.load %arg6[%swap3A_29, %swap3A_30, %swap3A_31] : memref<1x1x10240xi32, #tpu.memory_space<vmem>>, vector<1x1x10240xi32>
    tpu.vector_store %arg6[%swap3A_29, %swap3A_30, %swap3A_31], %select_n3A_28 {strides = array<i32>} : memref<1x1x10240xi32, #tpu.memory_space<vmem>>, vector<1x1x10240xi32>,
    return
  }
  func.func @transform_0(%arg0: i32) -> (i32, i32) {
    %c0_i32 = arith.constant 0 : i32
    %c0_i32_0 = arith.constant 0 : i32
    return %arg0, %c0_i32 : i32, i32
  }
  func.func @transform_1(%arg0: i32) -> (i32, i32) {
    %c0_i32 = arith.constant 0 : i32
    %c0_i32_0 = arith.constant 0 : i32
    %c0_i32_1 = arith.constant 0 : i32
    return %c0_i32, %c0_i32_0 : i32, i32
  }
  func.func @transform_2(%arg0: i32) -> (i32, i32) {
    %c0_i32 = arith.constant 0 : i32
    %c0_i32_0 = arith.constant 0 : i32
    return %c0_i32, %arg0 : i32, i32
  }
  func.func @transform_3(%arg0: i32) -> (i32, i32) {
    %c0_i32 = arith.constant 0 : i32
    %c0_i32_0 = arith.constant 0 : i32
    return %arg0, %c0_i32 : i32, i32
  }
  func.func @transform_4(%arg0: i32) -> (i32, i32, i32) {
    %c0_i32 = arith.constant 0 : i32
    %c0_i32_0 = arith.constant 0 : i32
    %c0_i32_1 = arith.constant 0 : i32
    return %arg0, %c0_i32, %c0_i32_0 : i32, i32, i32
  }
  func.func @transform_5(%arg0: i32) -> (i32, i32, i32) {
    %c0_i32 = arith.constant 0 : i32
    %c0_i32_0 = arith.constant 0 : i32
    %c0_i32_1 = arith.constant 0 : i32
    return %arg0, %c0_i32, %c0_i32_0 : i32, i32, i32
  }
}

module attributes {stable_mosaic.version = 14 : i64} {
  func.func @_final_body(%arg0: i32, %arg1: memref<1000x8xf32, #tpu.memory_space<vmem>>, %arg2: memref<8x256xf32, #tpu.memory_space<vmem>>, %arg3: memref<1x256xf32, #tpu.memory_space<vmem>>, %arg4: memref<1000x256xf32, #tpu.memory_space<vmem>>) attributes {dimension_semantics = [#tpu.dimension_semantics<arbitrary>], iteration_bounds = array<i64: 10>, scalar_prefetch = 0 : i64, scratch_operands = 0 : i64, tpu.core_type = #tpu.core_type<tc>, window_params = [{transform_indices = @transform_0, window_bounds = array<i64: 1000, 8>}, {pipeline_mode = #tpu.pipeline_mode<synchronous>, transform_indices = @transform_1, window_bounds = array<i64: 8, 256>}, {pipeline_mode = #tpu.pipeline_mode<synchronous>, transform_indices = @transform_2, window_bounds = array<i64: 1, 256>}, {transform_indices = @transform_3, window_bounds = array<i64: 1000, 256>}]} {
    %get3A = arith.constant 0 : index
    %get3A_0 = arith.constant 0 : index
    %get3A_1 = vector.load %arg1[%get3A, %get3A_0] : memref<1000x8xf32, #tpu.memory_space<vmem>>, vector<1000x8xf32>
    %get3A_2 = arith.constant 0 : index
    %get3A_3 = arith.constant 0 : index
    %get3A_4 = vector.load %arg2[%get3A_2, %get3A_3] : memref<8x256xf32, #tpu.memory_space<vmem>>, vector<8x256xf32>
    %dot_general3A = arith.constant dense<0.000000e+00> : vector<1000x256xf32>
    %dot_general3A_5 = tpu.matmul %get3A_1, %get3A_4, %dot_general3A {dimension_numbers = #tpu.dot_dimension_numbers<[1], [0], [0], [1], [0, 0, 1, 1], [], []>, transpose_lhs_hint = false} : vector<1000x8xf32>, vector<8x256xf32>, vector<1000x256xf32> -> vector<1000x256xf32>
    %get3A_6 = arith.constant 0 : index
    %get3A_7 = arith.constant 0 : index
    %get3A_8 = vector.load %arg3[%get3A_6, %get3A_7] : memref<1x256xf32, #tpu.memory_space<vmem>>, vector<1x256xf32>
    %add3A = vector.broadcast %get3A_8 : vector<1x256xf32> to vector<1000x256xf32>
    %add3A_9 = arith.addf %dot_general3A_5, %add3A : vector<1000x256xf32>
    %swap3A = arith.constant 0 : index
    %swap3A_10 = arith.constant 0 : index
    %swap3A_11 = vector.load %arg4[%swap3A, %swap3A_10] : memref<1000x256xf32, #tpu.memory_space<vmem>>, vector<1000x256xf32>
    tpu.vector_store %arg4[%swap3A, %swap3A_10], %add3A_9 {strides = array<i32>} : memref<1000x256xf32, #tpu.memory_space<vmem>>, vector<1000x256xf32>,
    return
  }
  func.func @transform_0(%arg0: i32) -> (i32, i32) {
    %c0_i32 = arith.constant 0 : i32
    %c0_i32_0 = arith.constant 0 : i32
    return %arg0, %c0_i32 : i32, i32
  }
  func.func @transform_1(%arg0: i32) -> (i32, i32) {
    %c0_i32 = arith.constant 0 : i32
    %c0_i32_0 = arith.constant 0 : i32
    %c0_i32_1 = arith.constant 0 : i32
    return %c0_i32, %c0_i32_0 : i32, i32
  }
  func.func @transform_2(%arg0: i32) -> (i32, i32) {
    %c0_i32 = arith.constant 0 : i32
    %c0_i32_0 = arith.constant 0 : i32
    %c0_i32_1 = arith.constant 0 : i32
    return %c0_i32, %c0_i32_0 : i32, i32
  }
  func.func @transform_3(%arg0: i32) -> (i32, i32) {
    %c0_i32 = arith.constant 0 : i32
    %c0_i32_0 = arith.constant 0 : i32
    return %arg0, %c0_i32 : i32, i32
  }
}

</mosaic_0001>

<sc_bundles>
// kernel: gcn_fused_sc.3.cloned.1.call-start
scs
__scs_entry_jumppad:
0x0: {  	(pc) =	sbr.rel $0x88, $3  }
0x1: {  	(tag) =	ssettag $0x0;
	lr =	simm.s32 $0x1  }
0x2: {  	[smem:$0x3F9B] =	sst lr;
	_ =	strace $0xD0000000  }
0x3: {  	_ = 	snop  }
0x4: {  	_ = 	snop  }
0x5: {  	_ = 	snop  }
0x6: {  	_ = 	snop  }
0x7: {  	_ = 	snop  }
__scs_overlays_trampoline_lowered:
0x8: {  	[smem:$0x3FAA] =	sst s0  }
0x9: {  	[smem:$0x3FAB] =	sst s1  }
0xa: {  	[smem:$0x3FAC] =	sst s2  }
0xb: {  	[smem:$0x3FAD] =	sst s3  }
0xc: {  	[smem:$0x3FAE] =	sst s4  }
0xd: {  	[smem:$0x3FAF] =	sst s5  }
0xe: {  	[smem:$0x3FB0] =	sst s6  }
0xf: {  	[smem:$0x3FB1] =	sst s7  }
0x10: {  	[smem:$0x3FB2] =	sst s8  }
0x11: {  	[smem:$0x3FB3] =	sst s9;
	s0 =	simm.s32 @!p0 $0x0  }
0x12: {  	s1 =	sld [smem:$0x3F99];
	s0 =	simm.s32 @p0 $0x1  }
0x13: {  	[smem:$0x3FB4] =	sst s0;
	s0 =	simm.s32 @!p1 $0x0  }
0x14: {  	s2 =	sld [smem:$0x3F98];
	s0 =	simm.s32 @p1 $0x1  }
0x15: {  	[smem:$0x3FB5] =	sst s0;
	s0 =	simm.s32 @!p2 $0x0  }
0x16: {  	s3 =	sld [smem:$0x3FDB];
	s0 =	simm.s32 @p2 $0x1  }
0x17: {  	s4 =	simm.s32 $0x1BF5;
	[smem:$0x3FB7] =	sst s0  }
0x18: {  	s0 =	sld [smem:$0x3F9A];
	_ =	swait.ge [sflag:s4], $0x0  }
0x19: {  	s7 =	sld [smem:$0x3F9B]  }
0x1a: {  	s8 =	sadd.s32 $0xFFFFE003, lr  }
0x1b: {  	s9 =	sadd.s32 $0xFFFFFEF7, lr;
	s5 =	simm.s32 $0xFFFFFFFF;
	p2 =	slt.u32 s8, $0xFFFFF086  }
0x1c: {  	p1 =	slt.u32 s9, $0xF7A;
	s5 =	simm.s32 @!p2 $0x0  }
0x1d: {  	s5 =	simm.s32 @p1 $0x1;
	p0 =	seq.s32 s7, s2  }
0x1e: {  	s7 =	smul.u32 @!p0 $0xF7A, s2;
	p2 =	seq.s32 @!p0 s5, $0x0  }
0x1f: {  	s9 =	smul.u32 $0xF7A, s1;
	s8 =	simm.s32 @!p0 $0x1BF5;
	p2 =	por !p2, p0  }
0x20: {  	[sflag:s8] =	ssyncset.s32 @!p0 $0xFFFFF086;
	s6 =	sadd.s32 @!p0 s3, s7;
	s7 =	simm.s32 @!p0 $0x108  }
0x21: {  	s3 =	sadd.s32 s3, s9;
	s6 =	sadd.s32 @!p0 $0x88, s6;
	s7 =	simm.s32 @p2 $0x1082  }
0x22: {  	[simem:s7], [sflag:s8] =	dma.local @!p0 [hbm:s6], $0xF7A  }
0x23: {  	s9 =	sor.u32 $0xD0000000, s2;
	s6 =	simm.s32 $0x108;
	_ =	swait.ge @!p0 [sflag:s8], $0x0  }
0x24: {  	s3 =	sadd.s32 $0x88, s3;
	s6 =	simm.s32 @!p1 $0x1082;
	[sflag:s4] =	ssyncset.s32 $0xFFFFF086  }
0x25: {  	[simem:s6], [sflag:s4] =	dma.local [hbm:s3], $0xF7A  }
0x26: {  	[smem:$0x3F9B] =	sst s1;
	(tag) =	ssettag s2;
	_ =	strace s9  }
0x27: {  	s1 =	sld [smem:$0x3FAB]  }
0x28: {  	s2 =	sld [smem:$0x3FAC]  }
0x29: {  	s4 =	sld [smem:$0x3FAE]  }
0x2a: {  	p0 =	seq.s32 s5, $0x0;
	s5 =	sld [smem:$0x3FAF]  }
0x2b: {  	s6 =	sld [smem:$0x3FB0]  }
0x2c: {  	s7 =	sld [smem:$0x3FB1]  }
0x2d: {  	s3 =	simm.s32 $0x108;
	s8 =	sld [smem:$0x3FB2]  }
0x2e: {  	s3 =	simm.s32 @!p0 $0x1082;
	s9 =	sld [smem:$0x3FB3]  }
0x2f: {  	lr =	sadd.s32 s0, s3;
	s0 =	sld [smem:$0x3FAA]  }
0x30: {  	s3 =	sld [smem:$0x3FAD]  }
0x31: {  	[smem:$0x3FB6] =	sst s10  }
0x32: {  	s10 =	sld [smem:$0x3FB4];
	_ =	sdelay $0x3  }
0x33: {  	p0 =	seq.s32 s10, $0x1;
	s10 =	sld [smem:$0x3FB6];
	_ =	sdelay $0x3  }
0x34: {  	[smem:$0x3FB6] =	sst s10  }
0x35: {  	s10 =	sld [smem:$0x3FB5];
	_ =	sdelay $0x3  }
0x36: {  	p1 =	seq.s32 s10, $0x1;
	s10 =	sld [smem:$0x3FB6];
	_ =	sdelay $0x3  }
0x37: {  	[smem:$0x3FB6] =	sst s10  }
0x38: {  	s10 =	sld [smem:$0x3FB7]  }
0x39: {  	_ = 	snop;
	(pc) =	sbr.ind lr, $3  }
0x3a: {  	_ = 	snop  }
0x3b: {  	_ = 	snop  }
0x3c: {  	p2 =	seq.s32 s10, $0x1;
	s10 =	sld [smem:$0x3FB6]  }
0x3d: {  	_ =	shalt  }
0x3e: {  	_ =	shalt  }
0x3f: {  	_ =	shalt  }
0x40: {  	_ =	shalt  }
0x41: {  	_ =	shalt  }
0x42: {  	_ =	shalt  }
0x43: {  	_ =	shalt  }
0x44: {  	_ =	shalt  }
0x45: {  	_ =	shalt  }
0x46: {  	_ =	shalt  }
0x47: {  	_ =	shalt  }
0x48: {  	_ =	shalt  }
0x49: {  	_ =	shalt  }
0x4a: {  	_ =	shalt  }
0x4b: {  	_ =	shalt  }
0x4c: {  	_ =	shalt  }
0x4d: {  	_ =	shalt  }
0x4e: {  	_ =	shalt  }
0x4f: {  	_ =	shalt  }
0x50: {  	_ =	shalt  }
0x51: {  	_ =	shalt  }
0x52: {  	_ =	shalt  }
0x53: {  	_ =	shalt  }
0x54: {  	_ =	shalt  }
0x55: {  	_ =	shalt  }
0x56: {  	_ =	shalt  }
0x57: {  	_ =	shalt  }
0x58: {  	_ =	shalt  }
0x59: {  	_ =	shalt  }
0x5a: {  	_ =	shalt  }
0x5b: {  	_ =	shalt  }
0x5c: {  	_ =	shalt  }
0x5d: {  	_ =	shalt  }
0x5e: {  	_ =	shalt  }
0x5f: {  	_ =	shalt  }
0x60: {  	_ =	shalt  }
0x61: {  	_ =	shalt  }
0x62: {  	_ =	shalt  }
0x63: {  	_ =	shalt  }
0x64: {  	_ =	shalt  }
0x65: {  	_ =	shalt  }
0x66: {  	_ =	shalt  }
0x67: {  	_ =	shalt  }
0x68: {  	_ =	shalt  }
0x69: {  	_ =	shalt  }
0x6a: {  	_ =	shalt  }
0x6b: {  	_ =	shalt  }
0x6c: {  	_ =	shalt  }
0x6d: {  	_ =	shalt  }
0x6e: {  	_ =	shalt  }
0x6f: {  	_ =	shalt  }
0x70: {  	_ =	shalt  }
0x71: {  	_ =	shalt  }
0x72: {  	_ =	shalt  }
0x73: {  	_ =	shalt  }
0x74: {  	_ =	shalt  }
0x75: {  	_ =	shalt  }
0x76: {  	_ =	shalt  }
0x77: {  	_ =	shalt  }
0x78: {  	_ =	shalt  }
0x79: {  	_ =	shalt  }
0x7a: {  	_ =	shalt  }
0x7b: {  	_ =	shalt  }
0x7c: {  	_ =	shalt  }
0x7d: {  	_ =	shalt  }
0x7e: {  	_ =	shalt  }
0x7f: {  	_ =	shalt  }
0x80: {  	_ =	shalt  }
0x81: {  	_ =	shalt  }
0x82: {  	_ =	shalt  }
0x83: {  	_ =	shalt  }
0x84: {  	_ =	shalt  }
0x85: {  	_ =	shalt  }
0x86: {  	_ =	shalt  }
0x87: {  	_ =	shalt  }
.Lfunc_end0:
.L_simem_size_0:
called_computation_lowered:
.L_overlay_start_0:
0x88: {  	s0 =	sld [smem:$0x3FD9]  }
0x89: {  	s1 =	sld [smem:$0x3FFE];
	_ =	sdelay $0x3  }
0x8a: {  	s0 =	sadd.s32 s1, s0  }
0x8b: {  	[smem:$0x3FC2] =	sst s0  }
0x8c: {  	_ = 	snop  }
0x8d: {  	s0 =	sld [smem:$0x3FD0];
	(tm) =	ssettm $0x1  }
0x8e: {  	s16 =	sld [smem:$0x3FFB];
	_ =	sdelay $0x3  }
0x8f: {  	_ =	strace s16  }
0x90: {  	s1 =	sld [smem:$0x3FFC];
	_ =	sdelay $0x3  }
0x91: {  	_ =	strace s1  }
0x92: {  	s1 =	sld [smem:$0x3FFD];
	_ =	sdelay $0x3  }
0x93: {  	_ =	strace s1  }
0x94: {  	_ =	strace $0x8FFFFFFF  }
0x95: {  	s17 =	sld [smem:$0x3FDB];
	_ =	sdelay $0x1  }
0x96: {  	s2 =	simm.s32 $_scs_section_size  }
0x97: {  	s3 =	simm.s32 $_size__tile_overlayer_lowered;
	s4 =	simm.s32 $_tile_overlayer_lowered  }
0x98: {  	s20 =	simm.s32 $0x1BFF;
	s19 =	sshll.u32 s4, $0x1;
	s1 =	sadd.s32 s2, s17  }
0x99: {  	s5 =	simm.s32 $0x0;
	s18 =	sshll.u32 s3, $0x1;
	s3 =	sadd.s32 s19, s1  }
0x9a: {  	[timem:s5], [sflag:s20] =	dma.local [hbm:s3], s18  }
0x9b: {  	_ =	swait.ge [sflag:s20], s18  }
0x9c: {  	s2 =	ssub.s32 $0x0, s18;
	[sflag:s20] =	ssyncset.done $0x0  }
0x9d: {  	[sflag:s20] =	ssyncadd.s32 s2;
	_ =	sdelay $0x1  }
0x9e: {  	s21 =	simm.s32 $0x1B8B  }
0x9f: {  	_ =	swait.ge [sflag:s21], $0x1  }
0xa0: {  	[sflag:s21] =	ssyncset.done $0x0  }
0xa1: {  	s23 =	simm.s32 $0x1B8E;
	s22 =	sld [smem:$0x3FFE];
	[sflag:s21] =	ssyncadd.s32 $0xFFFFFFFF  }
0xa2: {  	s24 =	simm.s32 $execute0_lowered;
	[smem:$0x3FD2] =	sst s23  }
0xa3: {  	s3 =	sshll.u32 s24, $0x1;
	_ =	strace $0x80000046;
	[dreg:$0x1] =	wrdreg $0xFFFFFFFF  }
0xa4: {  	s25 =	simm.s32 $_size_execute0_lowered;
	s1 =	sadd.s32 s1, s3;
	[dreg:$0x0] =	wrdreg $0x0  }
0xa5: {  	s3 =	sshll.u32 s25, $0x1;
	[dreg:$0x2] =	wrdreg s1  }
0xa6: {  	[dreg:$0x3] =	wrdreg s3  }
0xa7: {  	[dreg:$0x4] =	wrdreg $0xC0  }
0xa8: {  	_ =	task [dreg:s5], $0x5FFFF  }
0xa9: {  	[dreg:$0x1] =	wrdreg $0xFFFFFFFF  }
0xaa: {  	[dreg:$0x0] =	wrdreg $0x60  }
0xab: {  	[dreg:$0x2] =	wrdreg s22  }
0xac: {  	[dreg:$0x3] =	wrdreg s0  }
0xad: {  	[dreg:$0x4] =	wrdreg $0xE4100  }
0xae: {  	[dreg:$0x5] =	wrdreg $0xF8100  }
0xaf: {  	[dreg:$0x6] =	wrdreg $0x9  }
0xb0: {  	_ =	task.clear_ibuf [dreg:s5], $0x7FFFF;
	_ =	strace $0x90000046  }
0xb1: {  	s26 =	simm.s32 $0x9;
	_ =	strace $0x80000048  }
0xb2: {  	_ =	swait.ge [sflag:s26], $0x1  }
0xb3: {  	[sflag:s26] =	ssyncadd.s32 $0xFFFFFFFF  }
0xb4: {  	_ =	strace $0x90000048  }
0xb5: {  	_ =	sfence  }
0xb6: {  	s28 =	sld [smem:$0x0];
	_ =	sdelay $0x1  }
0xb7: {  	s29 =	srdreg.scid  }
0xb8: {  	s30 =	sshll.u32 s29, $0xD;
	s31 =	sshrl.u32 s29, $0x2  }
0xb9: {  	s2 =	sand.u32 $0x4000, s30;
	s1 =	sand.u32 $0x1, s29;
	s0 =	sadd.s32 s31, s28  }
0xba: {  	s1 =	sor.u32 s2, s1;
	s0 =	sshll.u32 s0, $0x11  }
0xbb: {  	s0 =	sor.u32 s0, s1  }
0xbc: {  	s0 =	sadd.s32 $0x8F2B, s0  }
0xbd: {  	[sflag:s0] =	ssyncadd.remote.s32 $0x1  }
0xbe: {  	_ =	sfence.sel $0xFFFF  }
0xbf: {  	[dreg:$0x0] =	wrdreg $0xFFFFFFFF;
	(pc) =	sbr.abs _section_cstart, $3  }
0xc0: {  	[dreg:$0x1] =	wrdreg $0xFFFFFFFF  }
0xc1: {  	_ =	task.clear_ibuf [dreg:s5], $0x2FFFF;
	_ =	strace $0x9FFFFFFF  }
0xc2: {  	(tm) =	ssettm $0x7FFFFFFF  }
0xc3: {  	_ =	shalt  }
tec
execute0_lowered:
.L_overlay_start_1:
0x0: {  	(tag) =	ssettag $0x1  }
0x1: {  	s2 =	rddreg [dreg:$0x0]  }
0x2: {  	s6 =	rddreg [dreg:$0x1]  }
0x3: {  	s4 =	rddreg [dreg:$0x2]  }
0x4: {  	s5 =	rddreg [dreg:$0x3];
	s1 =	stileid.u32  }
0x5: {  	s0 =	rddreg [dreg:$0x4];
	s3 =	simm.s32 $0x0;
	s7 =	smul.u32 $0x500, s1  }
0x6: {  	[smem:$0x7FF] =	sst s3  }
0x7: {  	s10 =	simm.s32 $0x3;
	_ =	strace $0x80000047;
	s6 =	sadd.s32 s6, s7  }
0x8: {  	[tilespmem:s3], [sflag:$0x3] =	stream.linear.gather [hbm4b:s6+s3], $0x2800, $0x38;
	[tilespmem:$0x10C10] =	vst v63  }
0x9: {  	_ =	swait.ge [sflag:s10], $0x2800  }
0xa: {  	s25 =	sadd.s32 s7, s2;
	[sflag:s10] =	ssyncset.done $0x0  }
0xb: {  	s26 =	simm.s32 $0x2800;
	s6 =	sadd.s32 $0x1200, s25;
	[sflag:s10] =	ssyncadd.s32 $0xFFFFD800  }
0xc: {  	[tilespmem:s26], [sflag:$0x3] =	stream.linear.gather [hbm4b:s6+s3], $0x2800, $0x38;
	[tilespmem:$0x10C10] =	vst v63  }
0xd: {  	_ =	swait.ge [sflag:s10], $0x2800  }
0xe: {  	[sflag:s10] =	ssyncset.done $0x0  }
0xf: {  	s8 =	simm.s32 $0xE000;
	s28 =	sadd.s32 $0x8A00, s2;
	[sflag:s10] =	ssyncadd.s32 $0xFFFFD800  }
0x10: {  	[tilespmem:s8], [sflag:$0x3] =	stream.linear.gather [hbm4b:s28+s3], $0x400, $0x38;
	[tilespmem:$0x10C10] =	vst v63  }
0x11: {  	_ =	swait.ge [sflag:s10], $0x400  }
0x12: {  	[sflag:s10] =	ssyncset.done $0x0  }
0x13: {  	s9 =	simm.s32 $0xCC00;
	s29 =	sadd.s32 $0x8C00, s2;
	[sflag:s10] =	ssyncadd.s32 $0xFFFFFC00  }
0x14: {  	[tilespmem:s9], [sflag:$0x3] =	stream.linear.gather [hbm4b:s29+s3], $0x1400, $0x38;
	[tilespmem:$0x10C10] =	vst v63  }
0x15: {  	_ =	swait.ge [sflag:s10], $0x1400  }
0x16: {  	[sflag:s10] =	ssyncset.done $0x0  }
0x17: {  	s31 =	simm.s32 $0xE400;
	s30 =	sadd.s32 $0x1000, s2;
	[sflag:s10] =	ssyncadd.s32 $0xFFFFEC00  }
0x18: {  	[tilespmem:s31], [sflag:$0x3] =	stream.linear.gather [hbm4b:s30+s3], $0x10, $0x38;
	[tilespmem:$0x10C10] =	vst v63  }
0x19: {  	s7 =	smul.u32 $0x1400, s1;
	_ =	swait.ge [sflag:s10], $0x10  }
0x1a: {  	[sflag:s10] =	ssyncset.done $0x0  }
0x1b: {  	s6 =	sadd.s32 s7, s4;
	[sflag:s10] =	ssyncadd.s32 $0xFFFFFFF0  }
0x1c: {  	[spmem:s6] =	stream.linear.scatter [tilespmem:s9], [sflag:$0x3], $0x1400, $0x38;
	[tilespmem:$0x10C10] =	vst v63  }
0x1d: {  	_ =	swait.ge [sflag:s10], $0x1400  }
0x1e: {  	[sflag:s10] =	ssyncset.done $0x0  }
0x1f: {  	s9 =	sadd.s32 $0x6200, s2;
	[sflag:s10] =	ssyncadd.s32 $0xFFFFEC00  }
0x20: {  	s2 =	sadd.s32 $0x9000, s2;
	s10 =	simm.s32 $0x80;
	[bflag:$0x0] =	sbarrier.arrive $0xFFFF  }
.LBB2_1:
0x21: {  	p0 =	sne.s32 s3, $0x9E00  }
.Ltmp0:
0x22: {  	_ = 	snop;
	(pc) =	sbr.rel @p0 .LBB2_1-.Ltmp0, $4  }
0x23: {  	_ = 	snop  }
0x24: {  	s11 =	sshra.s32 s3, $0x2  }
0x25: {  	s3 =	sadd.s32 $0x200, s3;
	s11 =	sadd.s32 $0x2800, s11  }
0x26: {  	[spmem:s4] =	stream.indirect.scatter.add.f32 [tilespmem:s8], [sflag:$0x2], $0x8, s11, s10, $0xb8;
	[tilespmem:$0x10C10] =	vst v63  }
0x27: {  	s3 =	simm.s32 $0x2  }
0x28: {  	_ =	swait.ge [sflag:s3], $0x400  }
0x29: {  	s8 =	simm.s32 $0x4F;
	[sflag:s3] =	ssyncset.done $0x0  }
.LBB2_3:
0x2a: {  	p0 =	sne.s32 s8, $0x1;
	s8 =	sadd.s32 $0xFFFFFFFF, s8;
	[sflag:s3] =	ssyncadd.s32 $0xFFFFFC00  }
.Ltmp1:
0x2b: {  	(pc) =	sbr.rel @p0 .LBB2_3-.Ltmp1, $3  }
0x2c: {  	_ =	sdelay $0x1  }
0x2d: {  	_ =	swait.ge [sflag:s3], $0x400  }
0x2e: {  	[sflag:s3] =	ssyncset.done $0x0  }
0x2f: {  	[sflag:s3] =	ssyncadd.s32 $0xFFFFFC00  }
0x30: {  	s8 =	simm.s32 $0xB800;
	s10 =	simm.s32 $0x3;
	[bflag:$0x0] =	sbarrier.arrive $0xFFFF  }
0x31: {  	[tilespmem:s8], [sflag:$0x3] =	stream.linear.gather [spmem:s6], $0x1400, $0x38;
	[tilespmem:$0x10C10] =	vst v63  }
0x32: {  	_ =	swait.ge [sflag:s10], $0x1400  }
0x33: {  	v1 =	vlaneseq.u32;
	[sflag:s10] =	ssyncset.done $0x0  }
0x34: {  	s25 =	simm.s32 $0xCC00;
	s11 =	simm.s32 $0x0;
	v0 =	vshrl.u32 v1, $0x3;
	[sflag:s10] =	ssyncadd.s32 $0xFFFFEC00  }
0x35: {  	v2 =	vmov s11;
	v0 =	vmul.u32 $0x8, v0;
	[spmem:s6] =	stream.linear.scatter [tilespmem:s25], [sflag:$0x3], $0x1400, $0x38;
	[tilespmem:$0x10C10] =	vst v63  }
0x36: {  	v2 =	vshll.u32 v2, $0x3;
	_ =	swait.ge [sflag:s10], $0x1400  }
0x37: {  	s3 =	sshrl.u32 s7, $0x3;
	s12 =	simm.s32 $0x0;
	v1 =	vand.u32 $0x7, v1;
	v2 =	vor.u32 v0, v2;
	[sflag:s10] =	ssyncset.done $0x0  }
0x38: {  	s26 =	sadd.s32 s9, s3;
	s9 =	simm.s32 $0xA400;
	v2 =	vor.u32 v1, v2;
	[sflag:s10] =	ssyncadd.s32 $0xFFFFEC00  }
0x39: {  	[tilespmem:s9], [sflag:$0x3] =	stream.linear.gather [hbm4b:s26+s12], $0x1400, $0x38;
	[tilespmem:$0x10C10] =	vst v63  }
0x3a: {  	_ =	swait.ge [sflag:s10], $0x1400  }
0x3b: {  	[sflag:s10] =	ssyncset.done $0x0  }
0x3c: {  	[sflag:s10] =	ssyncadd.s32 $0xFFFFEC00  }
0x3d: {  	v3 =	vld.idx.msk [tilespmem:v2+s8+$0x0], $0xffff;
	_ =	sdelay $0x4  }
0x3e: {  	v3 =	vadd.f32 $1.000000000e+00, v3;
	_ =	sdelay $0x1  }
0x3f: {  	v4 =	vshra.s32 v3, $0x1;
	v3 =	vmul.f32 $5.000000000e-01, v3  }
0x40: {  	v4 =	vsub.s32 $0x5F3759DF, v4  }
0x41: {  	v5 =	vmul.f32 v4, v3;
	_ =	sdelay $0x1  }
0x42: {  	v5 =	vmul.f32 v4, v5;
	_ =	sdelay $0x1  }
0x43: {  	v5 =	vsub.f32 $1.500000000e+00, v5;
	_ =	sdelay $0x1  }
0x44: {  	v4 =	vmul.f32 v4, v5;
	_ =	sdelay $0x1  }
0x45: {  	v3 =	vmul.f32 v4, v3;
	_ =	sdelay $0x1  }
0x46: {  	s28 =	simm.s32 $0x2;
	v3 =	vmul.f32 v3, v4  }
0x47: {  	v6 =	vmov s28;
	v5 =	vld.idx.msk [tilespmem:v2+s9+$0x0], $0xffff  }
0x48: {  	v6 =	vshll.u32 v6, $0x3;
	v3 =	vsub.f32 $1.500000000e+00, v3  }
0x49: {  	v6 =	vor.u32 v0, v6  }
0x4a: {  	v3 =	vmul.f32 v3, v4;
	v4 =	vor.u32 v1, v6;
	_ =	sdelay $0x1  }
0x4b: {  	v5 =	vmul.f32 v3, v5  }
0x4c: {  	s10 =	simm.s32 $0x9000;
	[tilespmem:v2+s9+$0x0] =	vst.idx.msk $0xffff, v3  }
0x4d: {  	[tilespmem:v2+s10+$0x0] =	vst.idx.msk $0xffff, v5  }
0x4e: {  	v2 =	vld.idx.msk [tilespmem:v4+s8+$0x0], $0xffff;
	_ =	sdelay $0x4  }
0x4f: {  	v2 =	vadd.f32 $1.000000000e+00, v2;
	_ =	sdelay $0x1  }
0x50: {  	v3 =	vshra.s32 v2, $0x1;
	v2 =	vmul.f32 $5.000000000e-01, v2  }
0x51: {  	v3 =	vsub.s32 $0x5F3759DF, v3  }
0x52: {  	v5 =	vmul.f32 v3, v2;
	_ =	sdelay $0x1  }
0x53: {  	v5 =	vmul.f32 v3, v5;
	_ =	sdelay $0x1  }
0x54: {  	v5 =	vsub.f32 $1.500000000e+00, v5;
	_ =	sdelay $0x1  }
0x55: {  	v3 =	vmul.f32 v3, v5;
	_ =	sdelay $0x1  }
0x56: {  	v2 =	vmul.f32 v3, v2;
	_ =	sdelay $0x1  }
0x57: {  	s29 =	simm.s32 $0x4;
	v2 =	vmul.f32 v2, v3  }
0x58: {  	v6 =	vmov s29;
	v5 =	vld.idx.msk [tilespmem:v4+s9+$0x0], $0xffff  }
0x59: {  	v6 =	vshll.u32 v6, $0x3;
	v2 =	vsub.f32 $1.500000000e+00, v2  }
0x5a: {  	v6 =	vor.u32 v0, v6  }
0x5b: {  	v2 =	vmul.f32 v2, v3;
	v3 =	vor.u32 v1, v6;
	_ =	sdelay $0x1  }
0x5c: {  	v5 =	vmul.f32 v2, v5  }
0x5d: {  	[tilespmem:v4+s9+$0x0] =	vst.idx.msk $0xffff, v2  }
0x5e: {  	[tilespmem:v4+s10+$0x0] =	vst.idx.msk $0xffff, v5  }
0x5f: {  	v2 =	vld.idx.msk [tilespmem:v3+s8+$0x0], $0xffff;
	_ =	sdelay $0x4  }
0x60: {  	v2 =	vadd.f32 $1.000000000e+00, v2;
	_ =	sdelay $0x1  }
0x61: {  	v4 =	vshra.s32 v2, $0x1;
	v2 =	vmul.f32 $5.000000000e-01, v2  }
0x62: {  	v4 =	vsub.s32 $0x5F3759DF, v4  }
0x63: {  	v5 =	vmul.f32 v4, v2;
	_ =	sdelay $0x1  }
0x64: {  	v5 =	vmul.f32 v4, v5;
	_ =	sdelay $0x1  }
0x65: {  	v5 =	vsub.f32 $1.500000000e+00, v5;
	_ =	sdelay $0x1  }
0x66: {  	v4 =	vmul.f32 v4, v5;
	_ =	sdelay $0x1  }
0x67: {  	v2 =	vmul.f32 v4, v2;
	_ =	sdelay $0x1  }
0x68: {  	s30 =	simm.s32 $0x6;
	v2 =	vmul.f32 v2, v4  }
0x69: {  	v6 =	vmov s30;
	v5 =	vld.idx.msk [tilespmem:v3+s9+$0x0], $0xffff  }
0x6a: {  	v6 =	vshll.u32 v6, $0x3;
	v2 =	vsub.f32 $1.500000000e+00, v2  }
0x6b: {  	v6 =	vor.u32 v0, v6  }
0x6c: {  	v4 =	vmul.f32 v2, v4;
	v2 =	vor.u32 v1, v6;
	_ =	sdelay $0x1  }
0x6d: {  	v5 =	vmul.f32 v4, v5  }
0x6e: {  	[tilespmem:v3+s9+$0x0] =	vst.idx.msk $0xffff, v4  }
0x6f: {  	[tilespmem:v3+s10+$0x0] =	vst.idx.msk $0xffff, v5  }
0x70: {  	v3 =	vld.idx.msk [tilespmem:v2+s8+$0x0], $0xffff;
	_ =	sdelay $0x4  }
0x71: {  	v3 =	vadd.f32 $1.000000000e+00, v3;
	_ =	sdelay $0x1  }
0x72: {  	v4 =	vshra.s32 v3, $0x1;
	v3 =	vmul.f32 $5.000000000e-01, v3  }
0x73: {  	v4 =	vsub.s32 $0x5F3759DF, v4  }
0x74: {  	v5 =	vmul.f32 v4, v3;
	_ =	sdelay $0x1  }
0x75: {  	v5 =	vmul.f32 v4, v5;
	_ =	sdelay $0x1  }
0x76: {  	v5 =	vsub.f32 $1.500000000e+00, v5;
	_ =	sdelay $0x1  }
0x77: {  	v4 =	vmul.f32 v4, v5;
	_ =	sdelay $0x1  }
0x78: {  	v3 =	vmul.f32 v4, v3;
	_ =	sdelay $0x1  }
0x79: {  	v3 =	vmul.f32 v3, v4  }
0x7a: {  	s31 =	simm.s32 $0x8  }
0x7b: {  	v6 =	vmov s31;
	v5 =	vld.idx.msk [tilespmem:v2+s9+$0x0], $0xffff;
	v3 =	vsub.f32 $1.500000000e+00, v3  }
0x7c: {  	v6 =	vshll.u32 v6, $0x3  }
0x7d: {  	v4 =	vmul.f32 v3, v4;
	v3 =	vor.u32 v0, v6  }
0x7e: {  	v3 =	vor.u32 v1, v3;
	_ =	sdelay $0x1  }
0x7f: {  	s11 =	simm.s32 $0xE;
	s12 =	simm.s32 $0x4;
	[tilespmem:v2+s9+$0x0] =	vst.idx.msk $0xffff, v4;
	v4 =	vmul.f32 v4, v5  }
.LBB2_5:
0x80: {  	_ = 	snop  }
0x81: {  	s12 =	sadd.s32 $0x4, s12;
	[tilespmem:v2+s10+$0x0] =	vst.idx.msk $0xffff, v4  }
0x82: {  	p0 =	slt.u32 s12, $0x13C;
	v2 =	vld.idx.msk [tilespmem:v3+s8+$0x0], $0xffff;
	_ =	sdelay $0x5  }
0x83: {  	v2 =	vadd.f32 $1.000000000e+00, v2;
	_ =	sdelay $0x1  }
0x84: {  	v4 =	vshra.s32 v2, $0x1;
	v2 =	vmul.f32 $5.000000000e-01, v2  }
0x85: {  	v4 =	vsub.s32 $0x5F3759DF, v4  }
0x86: {  	v5 =	vmul.f32 v4, v2;
	_ =	sdelay $0x1  }
0x87: {  	v5 =	vmul.f32 v4, v5;
	_ =	sdelay $0x1  }
0x88: {  	v5 =	vsub.f32 $1.500000000e+00, v5;
	_ =	sdelay $0x1  }
0x89: {  	v4 =	vmul.f32 v4, v5;
	_ =	sdelay $0x1  }
0x8a: {  	v2 =	vmul.f32 v4, v2;
	_ =	sdelay $0x1  }
0x8b: {  	s13 =	sadd.s32 $0xFFFFFFFC, s11;
	v2 =	vmul.f32 v2, v4;
	v5 =	vld.idx.msk [tilespmem:v3+s9+$0x0], $0xffff  }
0x8c: {  	v6 =	vmov s13  }
0x8d: {  	v6 =	vshll.u32 v6, $0x3;
	v2 =	vsub.f32 $1.500000000e+00, v2  }
0x8e: {  	v6 =	vor.u32 v0, v6  }
0x8f: {  	v2 =	vmul.f32 v2, v4;
	v4 =	vor.u32 v1, v6;
	_ =	sdelay $0x1  }
0x90: {  	v5 =	vmul.f32 v2, v5  }
0x91: {  	[tilespmem:v3+s9+$0x0] =	vst.idx.msk $0xffff, v2  }
0x92: {  	[tilespmem:v3+s10+$0x0] =	vst.idx.msk $0xffff, v5  }
0x93: {  	v2 =	vld.idx.msk [tilespmem:v4+s8+$0x0], $0xffff;
	_ =	sdelay $0x5  }
0x94: {  	v2 =	vadd.f32 $1.000000000e+00, v2;
	_ =	sdelay $0x1  }
0x95: {  	v3 =	vshra.s32 v2, $0x1;
	v2 =	vmul.f32 $5.000000000e-01, v2  }
0x96: {  	v3 =	vsub.s32 $0x5F3759DF, v3  }
0x97: {  	v5 =	vmul.f32 v3, v2;
	_ =	sdelay $0x1  }
0x98: {  	v5 =	vmul.f32 v3, v5;
	_ =	sdelay $0x1  }
0x99: {  	v5 =	vsub.f32 $1.500000000e+00, v5;
	_ =	sdelay $0x1  }
0x9a: {  	v3 =	vmul.f32 v3, v5;
	_ =	sdelay $0x1  }
0x9b: {  	v2 =	vmul.f32 v3, v2;
	_ =	sdelay $0x1  }
0x9c: {  	s13 =	sadd.s32 $0xFFFFFFFE, s11;
	v2 =	vmul.f32 v2, v3;
	v5 =	vld.idx.msk [tilespmem:v4+s9+$0x0], $0xffff  }
0x9d: {  	v6 =	vmov s13  }
0x9e: {  	v6 =	vshll.u32 v6, $0x3;
	v2 =	vsub.f32 $1.500000000e+00, v2  }
0x9f: {  	v6 =	vor.u32 v0, v6  }
0xa0: {  	v2 =	vmul.f32 v2, v3;
	v3 =	vor.u32 v1, v6;
	_ =	sdelay $0x1  }
0xa1: {  	v5 =	vmul.f32 v2, v5  }
0xa2: {  	[tilespmem:v4+s9+$0x0] =	vst.idx.msk $0xffff, v2  }
0xa3: {  	[tilespmem:v4+s10+$0x0] =	vst.idx.msk $0xffff, v5  }
0xa4: {  	v2 =	vld.idx.msk [tilespmem:v3+s8+$0x0], $0xffff;
	_ =	sdelay $0x5  }
0xa5: {  	v2 =	vadd.f32 $1.000000000e+00, v2;
	_ =	sdelay $0x1  }
0xa6: {  	v4 =	vshra.s32 v2, $0x1;
	v2 =	vmul.f32 $5.000000000e-01, v2  }
0xa7: {  	v4 =	vsub.s32 $0x5F3759DF, v4  }
0xa8: {  	v5 =	vmul.f32 v4, v2;
	_ =	sdelay $0x1  }
0xa9: {  	v5 =	vmul.f32 v4, v5;
	_ =	sdelay $0x1  }
0xaa: {  	v5 =	vsub.f32 $1.500000000e+00, v5;
	_ =	sdelay $0x1  }
0xab: {  	v4 =	vmul.f32 v4, v5;
	_ =	sdelay $0x1  }
0xac: {  	v2 =	vmul.f32 v4, v2;
	_ =	sdelay $0x1  }
0xad: {  	v2 =	vmul.f32 v2, v4;
	v5 =	vld.idx.msk [tilespmem:v3+s9+$0x0], $0xffff  }
0xae: {  	v6 =	vmov s11  }
0xaf: {  	v6 =	vshll.u32 v6, $0x3;
	v2 =	vsub.f32 $1.500000000e+00, v2  }
0xb0: {  	v6 =	vor.u32 v0, v6  }
0xb1: {  	v4 =	vmul.f32 v2, v4;
	v2 =	vor.u32 v1, v6;
	_ =	sdelay $0x1  }
0xb2: {  	[tilespmem:v3+s9+$0x0] =	vst.idx.msk $0xffff, v4;
	v4 =	vmul.f32 v4, v5;
	_ =	sdelay $0x1  }
0xb3: {  	[tilespmem:v3+s10+$0x0] =	vst.idx.msk $0xffff, v4  }
0xb4: {  	v3 =	vld.idx.msk [tilespmem:v2+s8+$0x0], $0xffff  }
0xb5: {  	v4 =	vld.idx.msk [tilespmem:v2+s9+$0x0], $0xffff;
	_ =	sdelay $0x4  }
0xb6: {  	v3 =	vadd.f32 $1.000000000e+00, v3;
	_ =	sdelay $0x1  }
0xb7: {  	v5 =	vshra.s32 v3, $0x1;
	v3 =	vmul.f32 $5.000000000e-01, v3  }
0xb8: {  	v5 =	vsub.s32 $0x5F3759DF, v5  }
0xb9: {  	v6 =	vmul.f32 v5, v3;
	_ =	sdelay $0x1  }
0xba: {  	v6 =	vmul.f32 v5, v6;
	_ =	sdelay $0x1  }
0xbb: {  	v6 =	vsub.f32 $1.500000000e+00, v6;
	_ =	sdelay $0x1  }
0xbc: {  	v5 =	vmul.f32 v5, v6;
	_ =	sdelay $0x1  }
0xbd: {  	v3 =	vmul.f32 v5, v3  }
0xbe: {  	s11 =	sadd.s32 $0x8, s11  }
0xbf: {  	s13 =	sadd.s32 $0xFFFFFFFA, s11;
	v3 =	vmul.f32 v3, v5  }
0xc0: {  	v6 =	vmov s13  }
.Ltmp2:
0xc1: {  	v6 =	vshll.u32 v6, $0x3;
	v7 =	vsub.f32 $1.500000000e+00, v3;
	(pc) =	sbr.rel @p0 .LBB2_5-.Ltmp2, $3  }
0xc2: {  	v3 =	vor.u32 v0, v6  }
0xc3: {  	v3 =	vor.u32 v1, v3;
	v5 =	vmul.f32 v7, v5;
	_ =	sdelay $0x1  }
0xc4: {  	v4 =	vmul.f32 v5, v4;
	[tilespmem:v2+s9+$0x0] =	vst.idx.msk $0xffff, v5  }
0xc5: {  	_ =	sdelay $0x3  }
0xc6: {  	[tilespmem:v2+s10+$0x0] =	vst.idx.msk $0xffff, v4  }
0xc7: {  	v2 =	vld.idx.msk [tilespmem:v3+s8+$0x0], $0xffff;
	_ =	sdelay $0x4  }
0xc8: {  	v2 =	vadd.f32 $1.000000000e+00, v2;
	_ =	sdelay $0x1  }
0xc9: {  	v47 =	vshra.s32 v2, $0x1;
	v2 =	vmul.f32 $5.000000000e-01, v2  }
0xca: {  	v4 =	vsub.s32 $0x5F3759DF, v47  }
0xcb: {  	v5 =	vmul.f32 v4, v2;
	_ =	sdelay $0x1  }
0xcc: {  	v5 =	vmul.f32 v4, v5;
	_ =	sdelay $0x1  }
0xcd: {  	v5 =	vsub.f32 $1.500000000e+00, v5;
	_ =	sdelay $0x1  }
0xce: {  	v4 =	vmul.f32 v4, v5;
	_ =	sdelay $0x1  }
0xcf: {  	v2 =	vmul.f32 v4, v2;
	_ =	sdelay $0x1  }
0xd0: {  	s12 =	sadd.s32 $0xFFFFFFFC, s11;
	v2 =	vmul.f32 v2, v4  }
0xd1: {  	v6 =	vmov s12;
	v48 =	vld.idx.msk [tilespmem:v3+s9+$0x0], $0xffff  }
0xd2: {  	v6 =	vshll.u32 v6, $0x3;
	v2 =	vsub.f32 $1.500000000e+00, v2  }
0xd3: {  	v6 =	vor.u32 v0, v6  }
0xd4: {  	v49 =	vor.u32 v1, v6;
	v2 =	vmul.f32 v2, v4;
	_ =	sdelay $0x1  }
0xd5: {  	v5 =	vmul.f32 v2, v48  }
0xd6: {  	[tilespmem:v3+s9+$0x0] =	vst.idx.msk $0xffff, v2  }
0xd7: {  	[tilespmem:v3+s10+$0x0] =	vst.idx.msk $0xffff, v5  }
0xd8: {  	v2 =	vld.idx.msk [tilespmem:v49+s8+$0x0], $0xffff;
	_ =	sdelay $0x4  }
0xd9: {  	v2 =	vadd.f32 $1.000000000e+00, v2;
	_ =	sdelay $0x1  }
0xda: {  	v50 =	vshra.s32 v2, $0x1;
	v2 =	vmul.f32 $5.000000000e-01, v2  }
0xdb: {  	v3 =	vsub.s32 $0x5F3759DF, v50  }
0xdc: {  	v51 =	vmul.f32 v3, v2;
	_ =	sdelay $0x1  }
0xdd: {  	v5 =	vmul.f32 v3, v51;
	_ =	sdelay $0x1  }
0xde: {  	v5 =	vsub.f32 $1.500000000e+00, v5;
	_ =	sdelay $0x1  }
0xdf: {  	v3 =	vmul.f32 v3, v5;
	_ =	sdelay $0x1  }
0xe0: {  	v2 =	vmul.f32 v3, v2;
	_ =	sdelay $0x1  }
0xe1: {  	s14 =	sadd.s32 $0xFFFFFFFE, s11;
	v2 =	vmul.f32 v2, v3  }
0xe2: {  	v53 =	vmov s14;
	v52 =	vld.idx.msk [tilespmem:v49+s9+$0x0], $0xffff  }
0xe3: {  	v6 =	vshll.u32 v53, $0x3;
	v2 =	vsub.f32 $1.500000000e+00, v2  }
0xe4: {  	v6 =	vor.u32 v0, v6  }
0xe5: {  	v54 =	vor.u32 v1, v6;
	v2 =	vmul.f32 v2, v3;
	_ =	sdelay $0x1  }
0xe6: {  	v5 =	vmul.f32 v2, v52  }
0xe7: {  	[tilespmem:v49+s9+$0x0] =	vst.idx.msk $0xffff, v2  }
0xe8: {  	[tilespmem:v49+s10+$0x0] =	vst.idx.msk $0xffff, v5  }
0xe9: {  	v2 =	vld.idx.msk [tilespmem:v54+s8+$0x0], $0xffff;
	_ =	sdelay $0x4  }
0xea: {  	v2 =	vadd.f32 $1.000000000e+00, v2;
	_ =	sdelay $0x1  }
0xeb: {  	v55 =	vshra.s32 v2, $0x1;
	v2 =	vmul.f32 $5.000000000e-01, v2  }
0xec: {  	v4 =	vsub.s32 $0x5F3759DF, v55  }
0xed: {  	v56 =	vmul.f32 v4, v2;
	_ =	sdelay $0x1  }
0xee: {  	v5 =	vmul.f32 v4, v56;
	_ =	sdelay $0x1  }
0xef: {  	v5 =	vsub.f32 $1.500000000e+00, v5;
	_ =	sdelay $0x1  }
0xf0: {  	v4 =	vmul.f32 v4, v5;
	_ =	sdelay $0x1  }
0xf1: {  	v2 =	vmul.f32 v4, v2;
	_ =	sdelay $0x1  }
0xf2: {  	v2 =	vmul.f32 v2, v4  }
0xf3: {  	v58 =	vmov s11;
	v57 =	vld.idx.msk [tilespmem:v54+s9+$0x0], $0xffff  }
0xf4: {  	v6 =	vshll.u32 v58, $0x3;
	v2 =	vsub.f32 $1.500000000e+00, v2  }
0xf5: {  	v59 =	vor.u32 v0, v6  }
0xf6: {  	v0 =	vor.u32 v1, v59;
	v2 =	vmul.f32 v2, v4;
	_ =	sdelay $0x1  }
0xf7: {  	v60 =	vmul.f32 v2, v57  }
0xf8: {  	[tilespmem:v54+s9+$0x0] =	vst.idx.msk $0xffff, v2  }
0xf9: {  	[tilespmem:v54+s10+$0x0] =	vst.idx.msk $0xffff, v60  }
0xfa: {  	v1 =	vld.idx.msk [tilespmem:v0+s8+$0x0], $0xffff;
	_ =	sdelay $0x4  }
0xfb: {  	v1 =	vadd.f32 $1.000000000e+00, v1;
	_ =	sdelay $0x1  }
0xfc: {  	v61 =	vshra.s32 v1, $0x1;
	v1 =	vmul.f32 $5.000000000e-01, v1  }
0xfd: {  	v2 =	vsub.s32 $0x5F3759DF, v61  }
0xfe: {  	v62 =	vmul.f32 v2, v1;
	_ =	sdelay $0x1  }
0xff: {  	v3 =	vmul.f32 v2, v62;
	_ =	sdelay $0x1  }
0x100: {  	v3 =	vsub.f32 $1.500000000e+00, v3;
	_ =	sdelay $0x1  }
0x101: {  	v2 =	vmul.f32 v2, v3;
	_ =	sdelay $0x1  }
0x102: {  	v1 =	vmul.f32 v2, v1;
	_ =	sdelay $0x1  }
0x103: {  	v1 =	vmul.f32 v1, v2  }
0x104: {  	v63 =	vld.idx.msk [tilespmem:v0+s9+$0x0], $0xffff  }
0x105: {  	v1 =	vsub.f32 $1.500000000e+00, v1;
	_ =	sdelay $0x1  }
0x106: {  	v1 =	vmul.f32 v1, v2;
	_ =	sdelay $0x1  }
0x107: {  	v2 =	vmul.f32 v1, v63  }
0x108: {  	[tilespmem:v0+s9+$0x0] =	vst.idx.msk $0xffff, v1  }
0x109: {  	s7 =	sadd.s32 s7, s5;
	s15 =	simm.s32 $0x9000;
	s16 =	simm.s32 $0x3;
	[tilespmem:v0+s10+$0x0] =	vst.idx.msk $0xffff, v2  }
0x10a: {  	[spmem:s7] =	stream.linear.scatter [tilespmem:s15], [sflag:$0x3], $0x1400, $0x38;
	[tilespmem:$0x10C10] =	vst v63  }
0x10b: {  	_ =	swait.ge [sflag:s16], $0x1400  }
0x10c: {  	[sflag:s16] =	ssyncset.done $0x0  }
0x10d: {  	s17 =	simm.s32 $0x5000;
	[sflag:s16] =	ssyncadd.s32 $0xFFFFEC00  }
0x10e: {  	s8 =	simm.s32 $0x80;
	s9 =	simm.s32 $0x0;
	[bflag:$0x0] =	sbarrier.arrive $0xFFFF  }
0x10f: {  	[tilespmem:s17], [sflag:$0x1] =	stream.indirect.gather [spmem:s5], $0x8, s9, s8, $0xb8;
	[tilespmem:$0x10C10] =	vst v63  }
0x110: {  	s18 =	simm.s32 $0x5400  }
0x111: {  	[tilespmem:s18], [sflag:$0x1] =	stream.indirect.gather [spmem:s5], $0x8, s8, s8, $0xb8;
	[tilespmem:$0x10C10] =	vst v63  }
0x112: {  	s19 =	simm.s32 $0x100;
	s20 =	simm.s32 $0x5800  }
0x113: {  	[tilespmem:s20], [sflag:$0x1] =	stream.indirect.gather [spmem:s5], $0x8, s19, s8, $0xb8;
	[tilespmem:$0x10C10] =	vst v63  }
0x114: {  	s21 =	simm.s32 $0x180;
	s22 =	simm.s32 $0x5C00  }
0x115: {  	[tilespmem:s22], [sflag:$0x1] =	stream.indirect.gather [spmem:s5], $0x8, s21, s8, $0xb8;
	[tilespmem:$0x10C10] =	vst v63  }
0x116: {  	s23 =	simm.s32 $0x200;
	s24 =	simm.s32 $0x6000;
	s25 =	simm.s32 $0x280  }
0x117: {  	[tilespmem:s24], [sflag:$0x1] =	stream.indirect.gather [spmem:s5], $0x8, s23, s8, $0xb8;
	[tilespmem:$0x10C10] =	vst v63  }
0x118: {  	s26 =	simm.s32 $0x6400;
	s28 =	simm.s32 $0x300;
	s29 =	simm.s32 $0x6800  }
0x119: {  	[tilespmem:s26], [sflag:$0x1] =	stream.indirect.gather [spmem:s5], $0x8, s25, s8, $0xb8;
	[tilespmem:$0x10C10] =	vst v63  }
0x11a: {  	s30 =	simm.s32 $0x380;
	s31 =	simm.s32 $0x6C00;
	s11 =	simm.s32 $0x400  }
0x11b: {  	[tilespmem:s29], [sflag:$0x1] =	stream.indirect.gather [spmem:s5], $0x8, s28, s8, $0xb8;
	[tilespmem:$0x10C10] =	vst v63  }
0x11c: {  	s13 =	simm.s32 $0x1;
	s12 =	simm.s32 $0x2800;
	s10 =	simm.s32 $0x2000  }
0x11d: {  	[tilespmem:s31], [sflag:$0x1] =	stream.indirect.gather [spmem:s5], $0x8, s30, s8, $0xb8;
	[tilespmem:$0x10C10] =	vst v63  }
.LBB2_7:
0x11e: {  	_ =	swait.ge [sflag:s13], $0x400;
	s14 =	sadd.s32 $0xFFFFE000, s10  }
0x11f: {  	[sflag:s13] =	ssyncset.done $0x0;
	s14 =	sand.u32 $0x3C00, s14  }
0x120: {  	p0 =	slt.u32 s9, $0x8;
	[sflag:s13] =	ssyncadd.s32 $0xFFFFFC00;
	s14 =	sadd.s32 $0x5000, s14  }
0x121: {  	[spmem:s4] =	stream.indirect.scatter.add.f32 [tilespmem:s14], [sflag:$0x2], $0x8, s12, s8, $0xb8;
	[tilespmem:$0x10C10] =	vst v63  }
0x122: {  	s14 =	simm.s32 @!p0 $0x2  }
0x123: {  	_ =	swait.ge @!p0 [sflag:s14], $0x400  }
0x124: {  	p1 =	sgt.u32 @!p0 s9, $0x47;
	s9 =	sadd.s32 $0x1, s9;
	[sflag:s14] =	ssyncset.done @!p0 $0x0  }
0x125: {  	p1 =	por p0, !p1;
	[sflag:s14] =	ssyncadd.s32 @!p0 $0xFFFFFC00;
	p0 =	sne.s32 s9, $0x50  }
.Ltmp3:
0x126: {  	_ = 	snop;
	(pc) =	sbr.rel @p0 .LBB2_7-.Ltmp3, $4  }
0x127: {  	s14 =	sand.u32 @p1 $0x3C00, s10  }
0x128: {  	s14 =	sadd.s32 @p1 $0x5000, s14  }
0x129: {  	[tilespmem:s14], [sflag:$0x1] =	stream.indirect.gather @p1 [spmem:s5], $0x8, s11, s8, $0xb8;
	[tilespmem:$0x10C10] =	vst v63  }
0x12a: {  	s12 =	sadd.s32 $0x80, s12;
	s10 =	sadd.s32 $0x400, s10;
	s11 =	sadd.s32 $0x80, s11  }
0x12b: {  	s8 =	simm.s32 $0x2  }
0x12c: {  	_ =	swait.ge [sflag:s8], $0x400  }
0x12d: {  	[sflag:s8] =	ssyncset.done $0x0  }
0x12e: {  	[sflag:s8] =	ssyncadd.s32 $0xFFFFFC00  }
0x12f: {  	_ =	swait.ge [sflag:s8], $0x400  }
0x130: {  	[sflag:s8] =	ssyncset.done $0x0  }
0x131: {  	[sflag:s8] =	ssyncadd.s32 $0xFFFFFC00  }
0x132: {  	_ =	swait.ge [sflag:s8], $0x400  }
0x133: {  	[sflag:s8] =	ssyncset.done $0x0  }
0x134: {  	[sflag:s8] =	ssyncadd.s32 $0xFFFFFC00  }
0x135: {  	_ =	swait.ge [sflag:s8], $0x400  }
0x136: {  	[sflag:s8] =	ssyncset.done $0x0  }
0x137: {  	[sflag:s8] =	ssyncadd.s32 $0xFFFFFC00  }
0x138: {  	_ =	swait.ge [sflag:s8], $0x400  }
0x139: {  	[sflag:s8] =	ssyncset.done $0x0  }
0x13a: {  	[sflag:s8] =	ssyncadd.s32 $0xFFFFFC00  }
0x13b: {  	_ =	swait.ge [sflag:s8], $0x400  }
0x13c: {  	[sflag:s8] =	ssyncset.done $0x0  }
0x13d: {  	[sflag:s8] =	ssyncadd.s32 $0xFFFFFC00  }
0x13e: {  	_ =	swait.ge [sflag:s8], $0x400  }
0x13f: {  	[sflag:s8] =	ssyncset.done $0x0  }
0x140: {  	[sflag:s8] =	ssyncadd.s32 $0xFFFFFC00  }
0x141: {  	_ =	swait.ge [sflag:s8], $0x400  }
0x142: {  	[sflag:s8] =	ssyncset.done $0x0  }
0x143: {  	v1 =	vlaneseq.u32;
	s9 =	simm.s32 $0x0;
	[sflag:s8] =	ssyncadd.s32 $0xFFFFFC00  }
0x144: {  	s10 =	simm.s32 $0x3;
	v0 =	vshrl.u32 v1, $0x3;
	s8 =	simm.s32 $0xB800;
	[bflag:$0x0] =	sbarrier.arrive $0xFFFF  }
0x145: {  	v2 =	vmov s9;
	v0 =	vmul.u32 $0x8, v0;
	[tilespmem:s8], [sflag:$0x3] =	stream.linear.gather [spmem:s6], $0x1400, $0x38;
	[tilespmem:$0x10C10] =	vst v63  }
0x146: {  	v2 =	vshll.u32 v2, $0x3;
	_ =	swait.ge [sflag:s10], $0x1400  }
0x147: {  	v1 =	vand.u32 $0x7, v1;
	v2 =	vor.u32 v0, v2;
	[sflag:s10] =	ssyncset.done $0x0  }
0x148: {  	s28 =	simm.s32 $0xCC00;
	v3 =	vor.u32 v1, v2;
	[sflag:s10] =	ssyncadd.s32 $0xFFFFEC00  }
0x149: {  	[spmem:s6] =	stream.linear.scatter [tilespmem:s28], [sflag:$0x3], $0x1400, $0x38;
	[tilespmem:$0x10C10] =	vst v63  }
0x14a: {  	_ =	swait.ge [sflag:s10], $0x1400  }
0x14b: {  	[sflag:s10] =	ssyncset.done $0x0  }
0x14c: {  	[sflag:s10] =	ssyncadd.s32 $0xFFFFEC00  }
0x14d: {  	s9 =	simm.s32 $0x9000;
	v4 =	vld.idx.msk [tilespmem:v3+s8+$0x0], $0xffff  }
0x14e: {  	v5 =	vld.idx.msk [tilespmem:v3+s9+$0x0], $0xffff  }
0x14f: {  	s10 =	simm.s32 $0xA400  }
0x150: {  	v6 =	vld.idx.msk [tilespmem:v3+s10+$0x0], $0xffff;
	_ =	sdelay $0x1  }
0x151: {  	v2 =	vld [tilespmem:$0xE400]  }
0x152: {  	v4 =	vadd.f32 v5, v4  }
0x153: {  	s11 =	simm.s32 $0x2  }
0x154: {  	v5 =	vmov s11;
	v4 =	vmul.f32 v4, v6  }
0x155: {  	v5 =	vshll.u32 v5, $0x3  }
0x156: {  	v5 =	vor.u32 v0, v5;
	v4 =	vadd.f32 v4, v2  }
0x157: {  	v5 =	vor.u32 v1, v5  }
0x158: {  	v4 =	vmax.f32 v4, $0.0e+00  }
0x159: {  	v4 =	vmul.f32 v4, v6;
	_ =	sdelay $0x1  }
0x15a: {  	[tilespmem:v3+s9+$0x0] =	vst.idx.msk $0xffff, v4  }
0x15b: {  	v3 =	vld.idx.msk [tilespmem:v5+s8+$0x0], $0xffff  }
0x15c: {  	v4 =	vld.idx.msk [tilespmem:v5+s9+$0x0], $0xffff;
	_ =	sdelay $0x1  }
0x15d: {  	v6 =	vld.idx.msk [tilespmem:v5+s10+$0x0], $0xffff;
	_ =	sdelay $0x2  }
0x15e: {  	v3 =	vadd.f32 v4, v3  }
0x15f: {  	s29 =	simm.s32 $0x4  }
0x160: {  	v4 =	vmov s29;
	v3 =	vmul.f32 v3, v6  }
0x161: {  	v4 =	vshll.u32 v4, $0x3  }
0x162: {  	v4 =	vor.u32 v0, v4;
	v3 =	vadd.f32 v3, v2  }
0x163: {  	v4 =	vor.u32 v1, v4  }
0x164: {  	v3 =	vmax.f32 v3, $0.0e+00  }
0x165: {  	v3 =	vmul.f32 v3, v6;
	_ =	sdelay $0x1  }
0x166: {  	[tilespmem:v5+s9+$0x0] =	vst.idx.msk $0xffff, v3  }
0x167: {  	v3 =	vld.idx.msk [tilespmem:v4+s8+$0x0], $0xffff  }
0x168: {  	v5 =	vld.idx.msk [tilespmem:v4+s9+$0x0], $0xffff;
	_ =	sdelay $0x1  }
0x169: {  	v6 =	vld.idx.msk [tilespmem:v4+s10+$0x0], $0xffff;
	_ =	sdelay $0x2  }
0x16a: {  	v3 =	vadd.f32 v5, v3  }
0x16b: {  	s30 =	simm.s32 $0x6  }
0x16c: {  	v5 =	vmov s30;
	v3 =	vmul.f32 v3, v6  }
0x16d: {  	v5 =	vshll.u32 v5, $0x3  }
0x16e: {  	v7 =	vadd.f32 v3, v2;
	v3 =	vor.u32 v0, v5  }
0x16f: {  	v3 =	vor.u32 v1, v3  }
0x170: {  	v5 =	vmax.f32 v7, $0.0e+00  }
0x171: {  	v5 =	vmul.f32 v5, v6;
	_ =	sdelay $0x1  }
0x172: {  	[tilespmem:v4+s9+$0x0] =	vst.idx.msk $0xffff, v5  }
0x173: {  	v5 =	vld.idx.msk [tilespmem:v3+s8+$0x0], $0xffff  }
0x174: {  	v6 =	vld.idx.msk [tilespmem:v3+s9+$0x0], $0xffff;
	_ =	sdelay $0x1  }
0x175: {  	v4 =	vld.idx.msk [tilespmem:v3+s10+$0x0], $0xffff;
	_ =	sdelay $0x2  }
0x176: {  	s31 =	simm.s32 $0x8;
	v5 =	vadd.f32 v6, v5  }
0x177: {  	v6 =	vmov s31  }
0x178: {  	v6 =	vshll.u32 v6, $0x3;
	v5 =	vmul.f32 v5, v4  }
0x179: {  	s12 =	simm.s32 $0x4;
	s11 =	simm.s32 $0xE;
	v6 =	vor.u32 v0, v6  }
.LBB2_9:
0x17a: {  	s12 =	sadd.s32 $0x4, s12;
	v6 =	vor.u32 v1, v6;
	v5 =	vadd.f32 v5, v2  }
0x17b: {  	p0 =	slt.u32 s12, $0x13C  }
0x17c: {  	v5 =	vmax.f32 v5, $0.0e+00  }
0x17d: {  	v4 =	vmul.f32 v5, v4;
	_ =	sdelay $0x1  }
0x17e: {  	[tilespmem:v3+s9+$0x0] =	vst.idx.msk $0xffff, v4  }
0x17f: {  	v3 =	vld.idx.msk [tilespmem:v6+s8+$0x0], $0xffff  }
0x180: {  	v4 =	vld.idx.msk [tilespmem:v6+s9+$0x0], $0xffff;
	_ =	sdelay $0x1  }
0x181: {  	v5 =	vld.idx.msk [tilespmem:v6+s10+$0x0], $0xffff;
	_ =	sdelay $0x3  }
0x182: {  	v3 =	vadd.f32 v4, v3  }
0x183: {  	s13 =	sadd.s32 $0xFFFFFFFC, s11  }
0x184: {  	v4 =	vmov s13;
	v3 =	vmul.f32 v3, v5  }
0x185: {  	v4 =	vshll.u32 v4, $0x3  }
0x186: {  	v4 =	vor.u32 v0, v4;
	v3 =	vadd.f32 v3, v2  }
0x187: {  	v4 =	vor.u32 v1, v4  }
0x188: {  	v3 =	vmax.f32 v3, $0.0e+00  }
0x189: {  	v3 =	vmul.f32 v3, v5;
	_ =	sdelay $0x1  }
0x18a: {  	[tilespmem:v6+s9+$0x0] =	vst.idx.msk $0xffff, v3  }
0x18b: {  	v3 =	vld.idx.msk [tilespmem:v4+s8+$0x0], $0xffff  }
0x18c: {  	v5 =	vld.idx.msk [tilespmem:v4+s9+$0x0], $0xffff;
	_ =	sdelay $0x1  }
0x18d: {  	v6 =	vld.idx.msk [tilespmem:v4+s10+$0x0], $0xffff;
	_ =	sdelay $0x3  }
0x18e: {  	v3 =	vadd.f32 v5, v3  }
0x18f: {  	s13 =	sadd.s32 $0xFFFFFFFE, s11  }
0x190: {  	v5 =	vmov s13;
	v3 =	vmul.f32 v3, v6  }
0x191: {  	v5 =	vshll.u32 v5, $0x3  }
0x192: {  	v5 =	vor.u32 v0, v5;
	v3 =	vadd.f32 v3, v2  }
0x193: {  	v5 =	vor.u32 v1, v5  }
0x194: {  	v3 =	vmax.f32 v3, $0.0e+00  }
0x195: {  	v3 =	vmul.f32 v3, v6;
	_ =	sdelay $0x1  }
0x196: {  	[tilespmem:v4+s9+$0x0] =	vst.idx.msk $0xffff, v3  }
0x197: {  	v3 =	vld.idx.msk [tilespmem:v5+s8+$0x0], $0xffff  }
0x198: {  	v4 =	vld.idx.msk [tilespmem:v5+s9+$0x0], $0xffff;
	_ =	sdelay $0x1  }
0x199: {  	v6 =	vld.idx.msk [tilespmem:v5+s10+$0x0], $0xffff;
	_ =	sdelay $0x3  }
0x19a: {  	v3 =	vadd.f32 v4, v3;
	_ =	sdelay $0x1  }
0x19b: {  	v4 =	vmov s11;
	v3 =	vmul.f32 v3, v6  }
0x19c: {  	v4 =	vshll.u32 v4, $0x3  }
0x19d: {  	v7 =	vadd.f32 v3, v2;
	v3 =	vor.u32 v0, v4  }
0x19e: {  	v3 =	vor.u32 v1, v3  }
0x19f: {  	v4 =	vmax.f32 v7, $0.0e+00  }
0x1a0: {  	v4 =	vmul.f32 v4, v6;
	_ =	sdelay $0x1  }
0x1a1: {  	[tilespmem:v5+s9+$0x0] =	vst.idx.msk $0xffff, v4  }
0x1a2: {  	v5 =	vld.idx.msk [tilespmem:v3+s8+$0x0], $0xffff  }
0x1a3: {  	v6 =	vld.idx.msk [tilespmem:v3+s9+$0x0], $0xffff  }
0x1a4: {  	v4 =	vld.idx.msk [tilespmem:v3+s10+$0x0], $0xffff;
	_ =	sdelay $0x3  }
.Ltmp4:
0x1a5: {  	s11 =	sadd.s32 $0x8, s11;
	(pc) =	sbr.rel @p0 .LBB2_9-.Ltmp4, $4  }
0x1a6: {  	s13 =	sadd.s32 $0xFFFFFFFA, s11;
	v5 =	vadd.f32 v6, v5  }
0x1a7: {  	v6 =	vmov s13  }
0x1a8: {  	v6 =	vshll.u32 v6, $0x3;
	v5 =	vmul.f32 v5, v4  }
0x1a9: {  	v6 =	vor.u32 v0, v6  }
0x1aa: {  	v5 =	vadd.f32 v5, v2  }
0x1ab: {  	v6 =	vor.u32 v1, v6  }
0x1ac: {  	v5 =	vmax.f32 v5, $0.0e+00  }
0x1ad: {  	v4 =	vmul.f32 v5, v4;
	_ =	sdelay $0x1  }
0x1ae: {  	[tilespmem:v3+s9+$0x0] =	vst.idx.msk $0xffff, v4  }
0x1af: {  	v3 =	vld.idx.msk [tilespmem:v6+s8+$0x0], $0xffff  }
0x1b0: {  	v4 =	vld.idx.msk [tilespmem:v6+s9+$0x0], $0xffff;
	_ =	sdelay $0x1  }
0x1b1: {  	v54 =	vld.idx.msk [tilespmem:v6+s10+$0x0], $0xffff;
	_ =	sdelay $0x2  }
0x1b2: {  	v3 =	vadd.f32 v4, v3  }
0x1b3: {  	s12 =	sadd.s32 $0xFFFFFFFC, s11  }
0x1b4: {  	v55 =	vmov s12;
	v3 =	vmul.f32 v3, v54  }
0x1b5: {  	v4 =	vshll.u32 v55, $0x3  }
0x1b6: {  	v4 =	vor.u32 v0, v4;
	v3 =	vadd.f32 v3, v2  }
0x1b7: {  	v4 =	vor.u32 v1, v4  }
0x1b8: {  	v3 =	vmax.f32 v3, $0.0e+00  }
0x1b9: {  	v3 =	vmul.f32 v3, v54;
	_ =	sdelay $0x1  }
0x1ba: {  	[tilespmem:v6+s9+$0x0] =	vst.idx.msk $0xffff, v3  }
0x1bb: {  	v3 =	vld.idx.msk [tilespmem:v4+s8+$0x0], $0xffff  }
0x1bc: {  	v56 =	vld.idx.msk [tilespmem:v4+s9+$0x0], $0xffff;
	_ =	sdelay $0x1  }
0x1bd: {  	v6 =	vld.idx.msk [tilespmem:v4+s10+$0x0], $0xffff;
	_ =	sdelay $0x2  }
0x1be: {  	v3 =	vadd.f32 v56, v3  }
0x1bf: {  	s14 =	sadd.s32 $0xFFFFFFFE, s11  }
0x1c0: {  	v57 =	vmov s14;
	v3 =	vmul.f32 v3, v6  }
0x1c1: {  	v5 =	vshll.u32 v57, $0x3  }
0x1c2: {  	v5 =	vor.u32 v0, v5;
	v3 =	vadd.f32 v3, v2  }
0x1c3: {  	v5 =	vor.u32 v1, v5  }
0x1c4: {  	v3 =	vmax.f32 v3, $0.0e+00  }
0x1c5: {  	v3 =	vmul.f32 v3, v6;
	_ =	sdelay $0x1  }
0x1c6: {  	[tilespmem:v4+s9+$0x0] =	vst.idx.msk $0xffff, v3  }
0x1c7: {  	v3 =	vld.idx.msk [tilespmem:v5+s8+$0x0], $0xffff  }
0x1c8: {  	v4 =	vld.idx.msk [tilespmem:v5+s9+$0x0], $0xffff;
	_ =	sdelay $0x1  }
0x1c9: {  	v58 =	vld.idx.msk [tilespmem:v5+s10+$0x0], $0xffff;
	_ =	sdelay $0x2  }
0x1ca: {  	v3 =	vadd.f32 v4, v3;
	_ =	sdelay $0x1  }
0x1cb: {  	v59 =	vmov s11;
	v3 =	vmul.f32 v3, v58  }
0x1cc: {  	v4 =	vshll.u32 v59, $0x3  }
0x1cd: {  	v60 =	vor.u32 v0, v4;
	v3 =	vadd.f32 v3, v2  }
0x1ce: {  	v0 =	vor.u32 v1, v60  }
0x1cf: {  	v61 =	vmax.f32 v3, $0.0e+00  }
0x1d0: {  	v1 =	vmul.f32 v61, v58;
	_ =	sdelay $0x1  }
0x1d1: {  	[tilespmem:v5+s9+$0x0] =	vst.idx.msk $0xffff, v1  }
0x1d2: {  	v1 =	vld.idx.msk [tilespmem:v0+s8+$0x0], $0xffff  }
0x1d3: {  	v62 =	vld.idx.msk [tilespmem:v0+s9+$0x0], $0xffff;
	_ =	sdelay $0x1  }
0x1d4: {  	v63 =	vld.idx.msk [tilespmem:v0+s10+$0x0], $0xffff;
	_ =	sdelay $0x2  }
0x1d5: {  	v1 =	vadd.f32 v62, v1;
	_ =	sdelay $0x1  }
0x1d6: {  	v1 =	vmul.f32 v1, v63;
	_ =	sdelay $0x1  }
0x1d7: {  	v1 =	vadd.f32 v1, v2;
	_ =	sdelay $0x1  }
0x1d8: {  	v1 =	vmax.f32 v1, $0.0e+00  }
0x1d9: {  	v1 =	vmul.f32 v1, v63;
	_ =	sdelay $0x1  }
0x1da: {  	s15 =	simm.s32 $0x9000;
	s16 =	simm.s32 $0x3;
	[tilespmem:v0+s9+$0x0] =	vst.idx.msk $0xffff, v1  }
0x1db: {  	[spmem:s7] =	stream.linear.scatter [tilespmem:s15], [sflag:$0x3], $0x1400, $0x38;
	[tilespmem:$0x10C10] =	vst v63  }
0x1dc: {  	_ =	swait.ge [sflag:s16], $0x1400  }
0x1dd: {  	[sflag:s16] =	ssyncset.done $0x0  }
0x1de: {  	s17 =	simm.s32 $0x5000;
	[sflag:s16] =	ssyncadd.s32 $0xFFFFEC00  }
0x1df: {  	s8 =	simm.s32 $0x0;
	s7 =	simm.s32 $0x80;
	[bflag:$0x0] =	sbarrier.arrive $0xFFFF  }
0x1e0: {  	[tilespmem:s17], [sflag:$0x1] =	stream.indirect.gather [spmem:s5], $0x8, s8, s7, $0xb8;
	[tilespmem:$0x10C10] =	vst v63  }
0x1e1: {  	s18 =	simm.s32 $0x5400  }
0x1e2: {  	[tilespmem:s18], [sflag:$0x1] =	stream.indirect.gather [spmem:s5], $0x8, s7, s7, $0xb8;
	[tilespmem:$0x10C10] =	vst v63  }
0x1e3: {  	s19 =	simm.s32 $0x100;
	s20 =	simm.s32 $0x5800  }
0x1e4: {  	[tilespmem:s20], [sflag:$0x1] =	stream.indirect.gather [spmem:s5], $0x8, s19, s7, $0xb8;
	[tilespmem:$0x10C10] =	vst v63  }
0x1e5: {  	s21 =	simm.s32 $0x180;
	s22 =	simm.s32 $0x5C00  }
0x1e6: {  	[tilespmem:s22], [sflag:$0x1] =	stream.indirect.gather [spmem:s5], $0x8, s21, s7, $0xb8;
	[tilespmem:$0x10C10] =	vst v63  }
0x1e7: {  	s23 =	simm.s32 $0x200;
	s24 =	simm.s32 $0x6000;
	s25 =	simm.s32 $0x280  }
0x1e8: {  	[tilespmem:s24], [sflag:$0x1] =	stream.indirect.gather [spmem:s5], $0x8, s23, s7, $0xb8;
	[tilespmem:$0x10C10] =	vst v63  }
0x1e9: {  	s26 =	simm.s32 $0x6400;
	s28 =	simm.s32 $0x300;
	s29 =	simm.s32 $0x6800  }
0x1ea: {  	[tilespmem:s26], [sflag:$0x1] =	stream.indirect.gather [spmem:s5], $0x8, s25, s7, $0xb8;
	[tilespmem:$0x10C10] =	vst v63  }
0x1eb: {  	s30 =	simm.s32 $0x380;
	s31 =	simm.s32 $0x6C00;
	s11 =	simm.s32 $0x2800  }
0x1ec: {  	[tilespmem:s29], [sflag:$0x1] =	stream.indirect.gather [spmem:s5], $0x8, s28, s7, $0xb8;
	[tilespmem:$0x10C10] =	vst v63  }
0x1ed: {  	s12 =	simm.s32 $0x1;
	s10 =	simm.s32 $0x400;
	s9 =	simm.s32 $0x2000  }
0x1ee: {  	[tilespmem:s31], [sflag:$0x1] =	stream.indirect.gather [spmem:s5], $0x8, s30, s7, $0xb8;
	[tilespmem:$0x10C10] =	vst v63  }
.LBB2_11:
0x1ef: {  	_ =	swait.ge [sflag:s12], $0x400;
	s13 =	sadd.s32 $0xFFFFE000, s9  }
0x1f0: {  	[sflag:s12] =	ssyncset.done $0x0;
	s13 =	sand.u32 $0x3C00, s13  }
0x1f1: {  	p0 =	slt.u32 s8, $0x8;
	[sflag:s12] =	ssyncadd.s32 $0xFFFFFC00;
	s13 =	sadd.s32 $0x5000, s13  }
0x1f2: {  	[spmem:s4] =	stream.indirect.scatter.add.f32 [tilespmem:s13], [sflag:$0x2], $0x8, s11, s7, $0xb8;
	[tilespmem:$0x10C10] =	vst v63  }
0x1f3: {  	s13 =	simm.s32 @!p0 $0x2  }
0x1f4: {  	_ =	swait.ge @!p0 [sflag:s13], $0x400  }
0x1f5: {  	p1 =	sgt.u32 @!p0 s8, $0x47;
	s8 =	sadd.s32 $0x1, s8;
	[sflag:s13] =	ssyncset.done @!p0 $0x0  }
0x1f6: {  	p1 =	por p0, !p1;
	[sflag:s13] =	ssyncadd.s32 @!p0 $0xFFFFFC00;
	p0 =	sne.s32 s8, $0x50  }
.Ltmp5:
0x1f7: {  	_ = 	snop;
	(pc) =	sbr.rel @p0 .LBB2_11-.Ltmp5, $4  }
0x1f8: {  	s13 =	sand.u32 @p1 $0x3C00, s9  }
0x1f9: {  	s13 =	sadd.s32 @p1 $0x5000, s13  }
0x1fa: {  	[tilespmem:s13], [sflag:$0x1] =	stream.indirect.gather @p1 [spmem:s5], $0x8, s10, s7, $0xb8;
	[tilespmem:$0x10C10] =	vst v63  }
0x1fb: {  	s11 =	sadd.s32 $0x80, s11;
	s9 =	sadd.s32 $0x400, s9;
	s10 =	sadd.s32 $0x80, s10  }
0x1fc: {  	s4 =	simm.s32 $0x2  }
0x1fd: {  	_ =	swait.ge [sflag:s4], $0x400  }
0x1fe: {  	[sflag:s4] =	ssyncset.done $0x0  }
0x1ff: {  	[sflag:s4] =	ssyncadd.s32 $0xFFFFFC00  }
0x200: {  	_ =	swait.ge [sflag:s4], $0x400  }
0x201: {  	[sflag:s4] =	ssyncset.done $0x0  }
0x202: {  	[sflag:s4] =	ssyncadd.s32 $0xFFFFFC00  }
0x203: {  	_ =	swait.ge [sflag:s4], $0x400  }
0x204: {  	[sflag:s4] =	ssyncset.done $0x0  }
0x205: {  	[sflag:s4] =	ssyncadd.s32 $0xFFFFFC00  }
0x206: {  	_ =	swait.ge [sflag:s4], $0x400  }
0x207: {  	[sflag:s4] =	ssyncset.done $0x0  }
0x208: {  	[sflag:s4] =	ssyncadd.s32 $0xFFFFFC00  }
0x209: {  	_ =	swait.ge [sflag:s4], $0x400  }
0x20a: {  	[sflag:s4] =	ssyncset.done $0x0  }
0x20b: {  	[sflag:s4] =	ssyncadd.s32 $0xFFFFFC00  }
0x20c: {  	_ =	swait.ge [sflag:s4], $0x400  }
0x20d: {  	[sflag:s4] =	ssyncset.done $0x0  }
0x20e: {  	[sflag:s4] =	ssyncadd.s32 $0xFFFFFC00  }
0x20f: {  	_ =	swait.ge [sflag:s4], $0x400  }
0x210: {  	v1 =	vlaneseq.u32;
	[sflag:s4] =	ssyncset.done $0x0  }
0x211: {  	s5 =	simm.s32 $0x0;
	v0 =	vshrl.u32 v1, $0x3;
	[sflag:s4] =	ssyncadd.s32 $0xFFFFFC00  }
0x212: {  	v2 =	vmov s5;
	v0 =	vmul.u32 $0x8, v0;
	_ =	swait.ge [sflag:s4], $0x400  }
0x213: {  	v2 =	vshll.u32 v2, $0x3;
	[sflag:s4] =	ssyncset.done $0x0  }
0x214: {  	v1 =	vand.u32 $0x7, v1;
	v2 =	vor.u32 v0, v2;
	[sflag:s4] =	ssyncadd.s32 $0xFFFFFC00  }
0x215: {  	s28 =	simm.s32 $0x3;
	v2 =	vor.u32 v1, v2;
	s4 =	simm.s32 $0xB800;
	[bflag:$0x0] =	sbarrier.arrive $0xFFFF  }
0x216: {  	[tilespmem:s4], [sflag:$0x3] =	stream.linear.gather [spmem:s6], $0x1400, $0x38;
	[tilespmem:$0x10C10] =	vst v63  }
0x217: {  	_ =	swait.ge [sflag:s28], $0x1400  }
0x218: {  	[sflag:s28] =	ssyncset.done $0x0  }
0x219: {  	[sflag:s28] =	ssyncadd.s32 $0xFFFFEC00  }
0x21a: {  	s5 =	simm.s32 $0x9000;
	v3 =	vld.idx.msk [tilespmem:v2+s4+$0x0], $0xffff  }
0x21b: {  	v4 =	vld.idx.msk [tilespmem:v2+s5+$0x0], $0xffff  }
0x21c: {  	s7 =	simm.s32 $0x2;
	s6 =	simm.s32 $0xA400  }
0x21d: {  	v6 =	vmov s7;
	v5 =	vld.idx.msk [tilespmem:v2+s6+$0x0], $0xffff  }
0x21e: {  	v6 =	vshll.u32 v6, $0x3  }
0x21f: {  	v6 =	vor.u32 v0, v6  }
0x220: {  	v3 =	vadd.f32 v4, v3;
	v4 =	vor.u32 v1, v6;
	_ =	sdelay $0x1  }
0x221: {  	v3 =	vmul.f32 v3, v5;
	_ =	sdelay $0x1  }
0x222: {  	[tilespmem:v2+s4+$0x0] =	vst.idx.msk $0xffff, v3  }
0x223: {  	v2 =	vld.idx.msk [tilespmem:v4+s4+$0x0], $0xffff  }
0x224: {  	v3 =	vld.idx.msk [tilespmem:v4+s5+$0x0], $0xffff  }
0x225: {  	s29 =	simm.s32 $0x4  }
0x226: {  	v6 =	vmov s29;
	v5 =	vld.idx.msk [tilespmem:v4+s6+$0x0], $0xffff  }
0x227: {  	v6 =	vshll.u32 v6, $0x3  }
0x228: {  	v6 =	vor.u32 v0, v6  }
0x229: {  	v2 =	vadd.f32 v3, v2;
	v3 =	vor.u32 v1, v6;
	_ =	sdelay $0x1  }
0x22a: {  	v2 =	vmul.f32 v2, v5;
	_ =	sdelay $0x1  }
0x22b: {  	[tilespmem:v4+s4+$0x0] =	vst.idx.msk $0xffff, v2  }
0x22c: {  	v2 =	vld.idx.msk [tilespmem:v3+s4+$0x0], $0xffff  }
0x22d: {  	v4 =	vld.idx.msk [tilespmem:v3+s5+$0x0], $0xffff  }
0x22e: {  	s30 =	simm.s32 $0x6  }
0x22f: {  	v6 =	vmov s30;
	v5 =	vld.idx.msk [tilespmem:v3+s6+$0x0], $0xffff  }
0x230: {  	v6 =	vshll.u32 v6, $0x3  }
0x231: {  	v6 =	vor.u32 v0, v6  }
0x232: {  	v4 =	vadd.f32 v4, v2;
	v2 =	vor.u32 v1, v6;
	_ =	sdelay $0x1  }
0x233: {  	v4 =	vmul.f32 v4, v5;
	_ =	sdelay $0x1  }
0x234: {  	[tilespmem:v3+s4+$0x0] =	vst.idx.msk $0xffff, v4  }
0x235: {  	v3 =	vld.idx.msk [tilespmem:v2+s4+$0x0], $0xffff  }
0x236: {  	s31 =	simm.s32 $0x8;
	v4 =	vld.idx.msk [tilespmem:v2+s5+$0x0], $0xffff  }
0x237: {  	v5 =	vmov s31  }
0x238: {  	v6 =	vshll.u32 v5, $0x3;
	v5 =	vld.idx.msk [tilespmem:v2+s6+$0x0], $0xffff  }
0x239: {  	s8 =	simm.s32 $0x4;
	s7 =	simm.s32 $0xE;
	v6 =	vor.u32 v0, v6  }
.LBB2_13:
0x23a: {  	s8 =	sadd.s32 $0x4, s8;
	v6 =	vor.u32 v1, v6  }
0x23b: {  	v3 =	vadd.f32 v4, v3;
	p0 =	slt.u32 s8, $0x13C;
	_ =	sdelay $0x1  }
0x23c: {  	v3 =	vmul.f32 v3, v5;
	_ =	sdelay $0x1  }
0x23d: {  	[tilespmem:v2+s4+$0x0] =	vst.idx.msk $0xffff, v3  }
0x23e: {  	v2 =	vld.idx.msk [tilespmem:v6+s4+$0x0], $0xffff  }
0x23f: {  	v3 =	vld.idx.msk [tilespmem:v6+s5+$0x0], $0xffff;
	_ =	sdelay $0x1  }
0x240: {  	s9 =	sadd.s32 $0xFFFFFFFC, s7;
	v4 =	vld.idx.msk [tilespmem:v6+s6+$0x0], $0xffff  }
0x241: {  	v5 =	vmov s9  }
0x242: {  	v5 =	vshll.u32 v5, $0x3  }
0x243: {  	v5 =	vor.u32 v0, v5  }
0x244: {  	v2 =	vadd.f32 v3, v2;
	v3 =	vor.u32 v1, v5;
	_ =	sdelay $0x1  }
0x245: {  	v2 =	vmul.f32 v2, v4;
	_ =	sdelay $0x1  }
0x246: {  	[tilespmem:v6+s4+$0x0] =	vst.idx.msk $0xffff, v2  }
0x247: {  	v2 =	vld.idx.msk [tilespmem:v3+s4+$0x0], $0xffff  }
0x248: {  	v4 =	vld.idx.msk [tilespmem:v3+s5+$0x0], $0xffff;
	_ =	sdelay $0x1  }
0x249: {  	s9 =	sadd.s32 $0xFFFFFFFE, s7;
	v5 =	vld.idx.msk [tilespmem:v3+s6+$0x0], $0xffff  }
0x24a: {  	v6 =	vmov s9  }
0x24b: {  	v6 =	vshll.u32 v6, $0x3  }
0x24c: {  	v6 =	vor.u32 v0, v6  }
0x24d: {  	v2 =	vadd.f32 v4, v2;
	v4 =	vor.u32 v1, v6;
	_ =	sdelay $0x1  }
0x24e: {  	v2 =	vmul.f32 v2, v5;
	_ =	sdelay $0x1  }
0x24f: {  	[tilespmem:v3+s4+$0x0] =	vst.idx.msk $0xffff, v2  }
0x250: {  	v2 =	vld.idx.msk [tilespmem:v4+s4+$0x0], $0xffff  }
0x251: {  	v3 =	vld.idx.msk [tilespmem:v4+s5+$0x0], $0xffff;
	_ =	sdelay $0x1  }
0x252: {  	v5 =	vld.idx.msk [tilespmem:v4+s6+$0x0], $0xffff  }
0x253: {  	v6 =	vmov s7  }
0x254: {  	v6 =	vshll.u32 v6, $0x3  }
0x255: {  	v6 =	vor.u32 v0, v6  }
0x256: {  	v3 =	vadd.f32 v3, v2;
	v2 =	vor.u32 v1, v6;
	_ =	sdelay $0x1  }
0x257: {  	v3 =	vmul.f32 v3, v5;
	_ =	sdelay $0x1  }
0x258: {  	[tilespmem:v4+s4+$0x0] =	vst.idx.msk $0xffff, v3  }
0x259: {  	v3 =	vld.idx.msk [tilespmem:v2+s4+$0x0], $0xffff  }
.Ltmp6:
0x25a: {  	s7 =	sadd.s32 $0x8, s7;
	v4 =	vld.idx.msk [tilespmem:v2+s5+$0x0], $0xffff;
	(pc) =	sbr.rel @p0 .LBB2_13-.Ltmp6, $4  }
0x25b: {  	s9 =	sadd.s32 $0xFFFFFFFA, s7;
	v5 =	vld.idx.msk [tilespmem:v2+s6+$0x0], $0xffff  }
0x25c: {  	v6 =	vmov s9  }
0x25d: {  	v6 =	vshll.u32 v6, $0x3  }
0x25e: {  	v6 =	vor.u32 v0, v6  }
0x25f: {  	v6 =	vor.u32 v1, v6;
	v3 =	vadd.f32 v4, v3;
	_ =	sdelay $0x1  }
0x260: {  	v3 =	vmul.f32 v3, v5;
	_ =	sdelay $0x1  }
0x261: {  	[tilespmem:v2+s4+$0x0] =	vst.idx.msk $0xffff, v3  }
0x262: {  	v2 =	vld.idx.msk [tilespmem:v6+s4+$0x0], $0xffff  }
0x263: {  	v3 =	vld.idx.msk [tilespmem:v6+s5+$0x0], $0xffff  }
0x264: {  	s8 =	sadd.s32 $0xFFFFFFFC, s7  }
0x265: {  	v53 =	vmov s8;
	v52 =	vld.idx.msk [tilespmem:v6+s6+$0x0], $0xffff  }
0x266: {  	v5 =	vshll.u32 v53, $0x3  }
0x267: {  	v5 =	vor.u32 v0, v5  }
0x268: {  	v54 =	vor.u32 v1, v5;
	v2 =	vadd.f32 v3, v2;
	_ =	sdelay $0x1  }
0x269: {  	v2 =	vmul.f32 v2, v52;
	_ =	sdelay $0x1  }
0x26a: {  	[tilespmem:v6+s4+$0x0] =	vst.idx.msk $0xffff, v2  }
0x26b: {  	v2 =	vld.idx.msk [tilespmem:v54+s4+$0x0], $0xffff  }
0x26c: {  	v55 =	vld.idx.msk [tilespmem:v54+s5+$0x0], $0xffff  }
0x26d: {  	s28 =	sadd.s32 $0xFFFFFFFE, s7  }
0x26e: {  	v56 =	vmov s28;
	v5 =	vld.idx.msk [tilespmem:v54+s6+$0x0], $0xffff  }
0x26f: {  	v6 =	vshll.u32 v56, $0x3  }
0x270: {  	v6 =	vor.u32 v0, v6  }
0x271: {  	v57 =	vor.u32 v1, v6;
	v2 =	vadd.f32 v55, v2;
	_ =	sdelay $0x1  }
0x272: {  	v2 =	vmul.f32 v2, v5;
	_ =	sdelay $0x1  }
0x273: {  	[tilespmem:v54+s4+$0x0] =	vst.idx.msk $0xffff, v2  }
0x274: {  	v2 =	vld.idx.msk [tilespmem:v57+s4+$0x0], $0xffff  }
0x275: {  	v3 =	vld.idx.msk [tilespmem:v57+s5+$0x0], $0xffff;
	_ =	sdelay $0x1  }
0x276: {  	v59 =	vmov s7;
	v58 =	vld.idx.msk [tilespmem:v57+s6+$0x0], $0xffff  }
0x277: {  	v6 =	vshll.u32 v59, $0x3  }
0x278: {  	v60 =	vor.u32 v0, v6  }
0x279: {  	v0 =	vor.u32 v1, v60;
	v2 =	vadd.f32 v3, v2;
	_ =	sdelay $0x1  }
0x27a: {  	v61 =	vmul.f32 v2, v58;
	_ =	sdelay $0x1  }
0x27b: {  	[tilespmem:v57+s4+$0x0] =	vst.idx.msk $0xffff, v61  }
0x27c: {  	v1 =	vld.idx.msk [tilespmem:v0+s4+$0x0], $0xffff  }
0x27d: {  	v62 =	vld.idx.msk [tilespmem:v0+s5+$0x0], $0xffff;
	_ =	sdelay $0x1  }
0x27e: {  	v63 =	vld.idx.msk [tilespmem:v0+s6+$0x0], $0xffff;
	_ =	sdelay $0x2  }
0x27f: {  	v1 =	vadd.f32 v62, v1;
	_ =	sdelay $0x1  }
0x280: {  	v1 =	vmul.f32 v1, v63  }
0x281: {  	s2 =	sadd.s32 s2, s3  }
0x282: {  	s29 =	simm.s32 $0x0;
	s30 =	simm.s32 $0xB800;
	s31 =	simm.s32 $0x3;
	[tilespmem:v0+s4+$0x0] =	vst.idx.msk $0xffff, v1  }
0x283: {  	[hbm4b:s2+s29] =	stream.linear.scatter [tilespmem:s30], [sflag:$0x3], $0x1400, $0x38;
	[tilespmem:$0x10C10] =	vst v63  }
0x284: {  	_ =	swait.ge [sflag:s31], $0x1400  }
0x285: {  	[sflag:s31] =	ssyncset.done $0x0  }
0x286: {  	[sflag:s31] =	ssyncadd.s32 $0xFFFFEC00  }
0x287: {  	_ =	sfence.sel $0x180000  }
0x288: {  	[bflag:$0x0] =	sbarrier.arrive $0xFFFF  }
0x289: {  	p0 =	sne.s32 s1, $0x0;
	_ =	strace $0x90000047  }
0x28a: {  	s0 =	sadd.s32 @!p0 $0x100000, s0;
	[bflag:$0x2] =	sbarrier.arrive $0xFFFF  }
0x28b: {  	[sflag:s0] =	ssyncadd.tile.s32 @!p0 $0x1;
	_ =	shalt  }
.Lfunc_end2:
_tile_overlayer_lowered:
.L_overlay_start_2:
0x28c: {  	(tag) =	ssettag $0x2  }
0x28d: {  	s0 =	rddreg [dreg:$0x0];
	s2 =	stileid.u32  }
0x28e: {  	s1 =	rddreg [dreg:$0x1];
	p0 =	sne.s32 s2, $0x0  }
0x28f: {  	s3 =	rddreg [dreg:$0x2];
	[bflag:$0x3] =	sbarrier.arrive $0xFFFF;
	s2 =	simm.s32 @!p0 $0x1C03  }
0x290: {  	[timem:s3], [sflag:s2] =	dma.local @!p0 [hbm:s0], s1  }
0x291: {  	s0 =	simm.s32 @!p0 $0x3  }
0x292: {  	_ =	swait.ge @!p0 [sflag:s0], s1  }
0x293: {  	s1 =	ssub.s32 @!p0 $0x0, s1;
	[sflag:s0] =	ssyncset.done @!p0 $0x0  }
0x294: {  	[sflag:s0] =	ssyncadd.s32 @!p0 s1  }
0x295: {  	[bflag:$0x3] =	sbarrier.arrive $0xFFFF  }
0x296: {  	_ =	shalt  }

</sc_bundles>
